<compile_context>
chip_gen: v7x
topology: tpu7x:2x2x1
jax: 0.10.2.dev20260603
libtpu: 0.0.44.dev20260713+nightly
codegen_flags: <defaults>
</compile_context>

<pallas_src>
import functools

import jax
import jax.numpy as jnp
from jax import lax
from jax.experimental import pallas as pl
from jax.experimental.pallas import tpu as pltpu
from jax.experimental.pallas import tpu_sc as plsc

N_NODES = 10000
N_EDGES = 320000
D = 128

NC = 2
NS = 16
NW = NC * NS
CH = 80
EPW = CH * 128
E_PAD = NW * EPW
CH0 = 112
CH1 = 48
CHM = max(CH0, CH1)
TOTAL_CH = NS * (CH0 + CH1)
N_ACC = 10240
DUMMY = 10200
RPT = N_ACC // NS
HR = N_ACC // 128

_mesh = plsc.VectorSubcoreMesh(core_axis_name="c", subcore_axis_name="s")


@functools.partial(
    pl.kernel,
    out_type=jax.ShapeDtypeStruct((NC, N_ACC, D), jnp.float32),
    mesh=_mesh,
    scratch_types=[
        pltpu.VMEM((CH, 128), jnp.int32),
        pltpu.VMEM((128, D), jnp.float32),
        pltpu.VMEM_SHARED((N_ACC, D), jnp.float32),
        pltpu.SemaphoreType.DMA,
    ],
)
def _deg_kernel(dst_hbm, ones_hbm, z_hbm, out_hbm, di, ones_v, acc, sem):
    c = lax.axis_index("c")
    s = lax.axis_index("s")
    w = c * NS + s
    pltpu.sync_copy(z_hbm.at[pl.ds(s * RPT, RPT)], acc.at[pl.ds(s * RPT, RPT)])
    pltpu.sync_copy(ones_hbm, ones_v)
    pltpu.sync_copy(dst_hbm.at[w], di)
    plsc.subcore_barrier()

    def body(j, carry):
        pltpu.async_copy(ones_v, acc.at[di.at[j]], sem, add=True)
        return carry

    lax.fori_loop(0, CH, body, 0)

    def drain(j, carry):
        pltpu.make_async_copy(ones_v, acc.at[di.at[j]], sem).wait()
        return carry

    lax.fori_loop(0, CH, drain, 0)
    plsc.subcore_barrier()
    pltpu.sync_copy(acc.at[pl.ds(s * RPT, RPT)], out_hbm.at[c, pl.ds(s * RPT, RPT)])


@functools.partial(
    pl.kernel,
    out_type=jax.ShapeDtypeStruct((NC, N_ACC, D), jnp.float32),
    mesh=_mesh,
    scratch_types=[
        pltpu.VMEM((CH // 2, 128), jnp.int32),
        pltpu.VMEM((CH // 2, 128), jnp.int32),
        pltpu.VMEM((128, D), jnp.float32),
        pltpu.VMEM((128, D), jnp.float32),
        pltpu.VMEM_SHARED((N_ACC, D), jnp.float32),
        pltpu.SemaphoreType.DMA,
    ],
)
def _agg_kernel(g_hbm, src_hbm, dst_hbm, z_hbm, out_hbm, si, di, ra, rb, acc, sem):
    c = lax.axis_index("c")
    s = lax.axis_index("s")
    w = c * NS + s
    HC = CH // 2
    pltpu.sync_copy(z_hbm.at[pl.ds(s * RPT, RPT)], acc.at[pl.ds(s * RPT, RPT)])
    plsc.subcore_barrier()

    for h in range(2):
        pltpu.sync_copy(src_hbm.at[w, pl.ds(h * HC, HC)], si)
        pltpu.sync_copy(dst_hbm.at[w, pl.ds(h * HC, HC)], di)
        pltpu.async_copy(g_hbm.at[si.at[0]], ra, sem)

        def body(i, carry):
            j = 2 * i
            pltpu.make_async_copy(g_hbm.at[si.at[j]], ra, sem).wait()
            pltpu.async_copy(g_hbm.at[si.at[j + 1]], rb, sem)
            pltpu.sync_copy(ra, acc.at[di.at[j]], add=True)
            pltpu.make_async_copy(g_hbm.at[si.at[j + 1]], rb, sem).wait()

            @pl.when(j + 2 < HC)
            def _next():
                pltpu.async_copy(g_hbm.at[si.at[j + 2]], ra, sem)

            pltpu.sync_copy(rb, acc.at[di.at[j + 1]], add=True)
            return carry

        lax.fori_loop(0, HC // 2, body, 0)
    plsc.subcore_barrier()
    pltpu.sync_copy(acc.at[pl.ds(s * RPT, RPT)], out_hbm.at[c, pl.ds(s * RPT, RPT)])


def _tc_in(degp_ref, x_ref, w_ref, u_ref, o_ref):
    u = lax.rsqrt(degp_ref[0, :N_NODES, :] + degp_ref[1, :N_NODES, :] + 1.0)
    u_ref[...] = u
    h = jnp.dot(x_ref[...], w_ref[...], preferred_element_type=jnp.float32)
    o_ref[...] = h * u


def _tc_mid(p_ref, m_ref, u_ref, b_ref, w_ref, o_ref):
    a = p_ref[0, :N_NODES, :] + p_ref[1, :N_NODES, :] + m_ref[...]
    t = jnp.maximum(u_ref[...] * a + b_ref[...], 0.0)
    h = jnp.dot(t, w_ref[...], preferred_element_type=jnp.float32)
    o_ref[...] = h * u_ref[...]


def _tc_out(p_ref, m_ref, u_ref, b_ref, w_ref, bl_ref, o_ref):
    a = p_ref[0, :N_NODES, :] + p_ref[1, :N_NODES, :] + m_ref[...]
    t = jnp.maximum(u_ref[...] * a + b_ref[...], 0.0)
    o_ref[...] = (
        jnp.dot(t, w_ref[...], preferred_element_type=jnp.float32) + bl_ref[...]
    )


def kernel(x, edge_index, W1, b1, W2, b2, Wl, bl):
    f32 = jnp.float32
    src = edge_index[0].astype(jnp.int32)
    dst = edge_index[1].astype(jnp.int32)
    pad = E_PAD - N_EDGES
    pad_src = jnp.arange(pad, dtype=jnp.int32) % N_NODES
    pad_dst = N_NODES + jnp.arange(pad, dtype=jnp.int32) % (N_ACC - N_NODES)
    src_f = jnp.concatenate([src, pad_src])
    dst_f = jnp.concatenate([dst, pad_dst])
    dst_p = dst_f.reshape(NW, CH, 128)
    src_p = src_f.reshape(NW, CH, 128)

    z_rows = jnp.zeros((N_ACC, D), f32)
    ones_sq = jnp.ones((128, D), f32)

    degp = _deg_kernel(dst_p, ones_sq, z_rows)

    u_col, m1 = pl.pallas_call(
        _tc_in,
        out_shape=(
            jax.ShapeDtypeStruct((N_NODES, D), f32),
            jax.ShapeDtypeStruct((N_NODES, D), f32),
        ),
    )(degp, x, W1)
    p1 = _agg_kernel(m1, src_p, dst_p, z_rows)

    m2 = pl.pallas_call(_tc_mid, out_shape=jax.ShapeDtypeStruct((N_NODES, D), f32))(
        p1, m1, u_col, b1.reshape(1, D), W2
    )
    p2 = _agg_kernel(m2, src_p, dst_p, z_rows)

    out = pl.pallas_call(
        _tc_out, out_shape=jax.ShapeDtypeStruct((N_NODES, bl.shape[0]), f32)
    )(p2, m2, u_col, b2.reshape(1, D), Wl, bl.reshape(1, bl.shape[0]))
    return out

# --- scband reference (transcript-rebuilt; emitter-appended) ---
"""Pipeline reference for scband-gcnmodel-68736656605994 (READ-ONLY COPY).

The authoritative reference and input builder live on the scoring server;
editing this copy changes nothing except your own understanding.
"""

import jax, jax.numpy as jnp
import numpy as np

N_NODES = 10000
N_EDGES = 320000
IN_DIM = 128
HID_DIM = 128
OUT_DIM = 5


def setup_inputs(seed: int = 0) -> dict:
    key = jax.random.key(seed)
    k_x, k_e, k_w1, k_b1, k_w2, k_b2, k_wl, k_bl = jax.random.split(key, 8)
    x = jax.random.normal(k_x, (N_NODES, IN_DIM), dtype=jnp.float32)
    edge_index = jax.random.randint(k_e, (2, N_EDGES), 0, N_NODES, dtype=jnp.int64)
    s1 = 1.0 / np.sqrt(IN_DIM)
    s2 = 1.0 / np.sqrt(HID_DIM)
    W1 = jax.random.uniform(k_w1, (IN_DIM, HID_DIM), jnp.float32, -s1, s1)
    b1 = jax.random.uniform(k_b1, (HID_DIM,), jnp.float32, -s1, s1)
    W2 = jax.random.uniform(k_w2, (HID_DIM, HID_DIM), jnp.float32, -s2, s2)
    b2 = jax.random.uniform(k_b2, (HID_DIM,), jnp.float32, -s2, s2)
    Wl = jax.random.uniform(k_wl, (HID_DIM, OUT_DIM), jnp.float32, -s2, s2)
    bl = jax.random.uniform(k_bl, (OUT_DIM,), jnp.float32, -s2, s2)
    return {"x": x, "edge_index": edge_index, "W1": W1, "b1": b1, "W2": W2, "b2": b2, "Wl": Wl, "bl": bl}


def gcn_conv(x, src, dst, norm, W, b):
    # GCNConv: x' = D^{-1/2} (A + I) D^{-1/2} (x W) + b
    h = x @ W
    msg = h[src] * norm[:, None]
    out = jax.ops.segment_sum(msg, dst, num_segments=x.shape[0])
    return out + b


def reference(x, edge_index, W1, b1, W2, b2, Wl, bl):
    N = x.shape[0]
    loop = jnp.arange(N, dtype=edge_index.dtype)
    src = jnp.concatenate([edge_index[0], loop])
    dst = jnp.concatenate([edge_index[1], loop])
    deg = jnp.zeros((N,), dtype=jnp.float32).at[dst].add(1.0)
    dinv = jnp.where(deg > 0, 1.0 / jnp.sqrt(deg), 0.0)
    norm = dinv[src] * dinv[dst]
    h = gcn_conv(x, src, dst, norm, W1, b1)
    h = jax.nn.relu(h)
    h = gcn_conv(h, src, dst, norm, W2, b2)
    h = jax.nn.relu(h)
    out = h @ Wl + bl
    return out

if __name__ == "__main__":
    import jax
    _d = setup_inputs()
    print(jax.jit(kernel)(*tuple(_d.values())))

</pallas_src>

<mosaic_0001>
#map = affine_map<(d0, d1) -> (0, 0, 0)>
#map1 = affine_map<(d0, d1) -> (0, 0)>
module attributes {stable_mosaic.version = 14 : i64} {
  func.func @_deg_kernel(%arg0: i32, %arg1: i32, %arg2: memref<32x80x128xi32, #tpu.memory_space<hbm>>, %arg3: memref<128x128xf32, #tpu.memory_space<hbm>>, %arg4: memref<10240x128xf32, #tpu.memory_space<hbm>>, %arg5: memref<2x10240x128xf32, #tpu.memory_space<hbm>>, %arg6: memref<80x128xi32, #tpu.memory_space<vmem>>, %arg7: memref<128x128xf32, #tpu.memory_space<vmem>>, %arg8: memref<10240x128xf32, #tpu.memory_space<vmem_shared>>, %arg9: memref<!tpu.dma_semaphore, #tpu.memory_space<semaphore_mem>>) attributes {dimension_semantics = [#tpu.dimension_semantics<core_parallel>, #tpu.dimension_semantics<subcore_parallel>], iteration_bounds = array<i64: 2, 16>, scalar_prefetch = 0 : i64, scratch_operands = 4 : i64, tpu.core_type = #tpu.core_type<sc_vector_subcore>, window_params = [{transform_indices = #map}, {transform_indices = #map1}, {transform_indices = #map1}, {transform_indices = #map}]} {
    %mul3A = arith.constant 16 : i32
    %mul3A_0 = arith.muli %arg0, %mul3A : i32
    %add3A = arith.addi %mul3A_0, %arg1 : i32
    %mul3A_1 = arith.constant 640 : i32
    %mul3A_2 = arith.muli %arg1, %mul3A_1 : i32
    %mul3A_3 = arith.constant 640 : i32
    %mul3A_4 = arith.muli %arg1, %mul3A_3 : i32
    "tpu.region"() ({
      %run_scoped3A = tpu.sem_alloc : memref<!tpu.dma_semaphore, #tpu.memory_space<semaphore_mem>>
      %dma_start3A = arith.constant 0 : i32
      %dma_start3A_21 = tpu.memref_slice %arg8[%mul3A_4, %dma_start3A] : memref<10240x128xf32, #tpu.memory_space<vmem_shared>> -> memref<640x128xf32, #tpu.memory_space<vmem_shared>>
      %dma_start3A_22 = arith.constant 0 : i32
      %dma_start3A_23 = tpu.memref_slice %arg4[%mul3A_2, %dma_start3A_22] : memref<10240x128xf32, #tpu.memory_space<hbm>> -> memref<640x128xf32, #tpu.memory_space<hbm>>
      tpu.enqueue_dma source(%dma_start3A_23 : memref<640x128xf32, #tpu.memory_space<hbm>>) target(%dma_start3A_21 : memref<640x128xf32, #tpu.memory_space<vmem_shared>>) target_semaphore(%run_scoped3A : memref<!tpu.dma_semaphore, #tpu.memory_space<semaphore_mem>>)
      %dma_wait3A = arith.constant 0 : i32
      %dma_wait3A_24 = tpu.memref_slice %arg8[%mul3A_4, %dma_wait3A] : memref<10240x128xf32, #tpu.memory_space<vmem_shared>> -> memref<640x128xf32, #tpu.memory_space<vmem_shared>>
      %dma_wait3A_25 = arith.constant 0 : i32
      %dma_wait3A_26 = tpu.memref_slice %arg4[%mul3A_2, %dma_wait3A_25] : memref<10240x128xf32, #tpu.memory_space<hbm>> -> memref<640x128xf32, #tpu.memory_space<hbm>>
      tpu.wait_dma2 semaphore(%run_scoped3A : memref<!tpu.dma_semaphore, #tpu.memory_space<semaphore_mem>>) src(%dma_wait3A_26 : memref<640x128xf32, #tpu.memory_space<hbm>>) dst(%dma_wait3A_24 : memref<640x128xf32, #tpu.memory_space<vmem_shared>>)
      tpu.yield
    }) : () -> ()
    "tpu.region"() ({
      %run_scoped3A = tpu.sem_alloc : memref<!tpu.dma_semaphore, #tpu.memory_space<semaphore_mem>>
      tpu.enqueue_dma source(%arg3 : memref<128x128xf32, #tpu.memory_space<hbm>>) target(%arg7 : memref<128x128xf32, #tpu.memory_space<vmem>>) target_semaphore(%run_scoped3A : memref<!tpu.dma_semaphore, #tpu.memory_space<semaphore_mem>>)
      tpu.wait_dma2 semaphore(%run_scoped3A : memref<!tpu.dma_semaphore, #tpu.memory_space<semaphore_mem>>) src(%arg3 : memref<128x128xf32, #tpu.memory_space<hbm>>) dst(%arg7 : memref<128x128xf32, #tpu.memory_space<vmem>>)
      tpu.yield
    }) : () -> ()
    "tpu.region"() ({
      %run_scoped3A = tpu.sem_alloc : memref<!tpu.dma_semaphore, #tpu.memory_space<semaphore_mem>>
      %dma_start3A = arith.constant 0 : i32
      %dma_start3A_21 = arith.constant 0 : i32
      %dma_start3A_22 = tpu.memref_slice %arg2[%add3A, %dma_start3A, %dma_start3A_21] : memref<32x80x128xi32, #tpu.memory_space<hbm>> -> memref<1x80x128xi32, #tpu.memory_space<hbm>>
      %dma_start3A_23 = tpu.memref_squeeze %dma_start3A_22 : memref<1x80x128xi32, #tpu.memory_space<hbm>> -> memref<80x128xi32, #tpu.memory_space<hbm>>
      %dma_start3A_24 = arith.constant 0 : i32
      %dma_start3A_25 = arith.constant 0 : i32
      %dma_start3A_26 = tpu.memref_slice %arg2[%add3A, %dma_start3A_24, %dma_start3A_25] : memref<32x80x128xi32, #tpu.memory_space<hbm>> -> memref<1x80x128xi32, #tpu.memory_space<hbm>>
      %dma_start3A_27 = tpu.memref_squeeze %dma_start3A_26 : memref<1x80x128xi32, #tpu.memory_space<hbm>> -> memref<80x128xi32, #tpu.memory_space<hbm>>
      tpu.enqueue_dma source(%dma_start3A_27 : memref<80x128xi32, #tpu.memory_space<hbm>>) target(%arg6 : memref<80x128xi32, #tpu.memory_space<vmem>>) target_semaphore(%run_scoped3A : memref<!tpu.dma_semaphore, #tpu.memory_space<semaphore_mem>>)
      %dma_wait3A = arith.constant 0 : i32
      %dma_wait3A_28 = arith.constant 0 : i32
      %dma_wait3A_29 = tpu.memref_slice %arg2[%add3A, %dma_wait3A, %dma_wait3A_28] : memref<32x80x128xi32, #tpu.memory_space<hbm>> -> memref<1x80x128xi32, #tpu.memory_space<hbm>>
      %dma_wait3A_30 = tpu.memref_squeeze %dma_wait3A_29 : memref<1x80x128xi32, #tpu.memory_space<hbm>> -> memref<80x128xi32, #tpu.memory_space<hbm>>
      %dma_wait3A_31 = arith.constant 0 : i32
      %dma_wait3A_32 = arith.constant 0 : i32
      %dma_wait3A_33 = tpu.memref_slice %arg2[%add3A, %dma_wait3A_31, %dma_wait3A_32] : memref<32x80x128xi32, #tpu.memory_space<hbm>> -> memref<1x80x128xi32, #tpu.memory_space<hbm>>
      %dma_wait3A_34 = tpu.memref_squeeze %dma_wait3A_33 : memref<1x80x128xi32, #tpu.memory_space<hbm>> -> memref<80x128xi32, #tpu.memory_space<hbm>>
      tpu.wait_dma2 semaphore(%run_scoped3A : memref<!tpu.dma_semaphore, #tpu.memory_space<semaphore_mem>>) src(%dma_wait3A_34 : memref<80x128xi32, #tpu.memory_space<hbm>>) dst(%arg6 : memref<80x128xi32, #tpu.memory_space<vmem>>)
      tpu.yield
    }) : () -> ()
    %barrier3A = arith.constant 0 : index
    tpu.barrier barrier_id(%barrier3A)
    %scan3A = arith.constant 0 : i32
    %scan3A_5 = arith.constant 0 : i32
    %scan3A_6 = arith.constant 80 : i32
    %scan3A_7 = arith.addi %scan3A_5, %scan3A_6 : i32
    %scan3A_8 = arith.constant 1 : i32
    scf.for %scan3A_21 = %scan3A_5 to %scan3A_7 step %scan3A_8  : i32 {
      %dma_start3A = arith.constant 0 : i32
      %dma_start3A_22 = tpu.memref_slice %arg6[%scan3A_21, %dma_start3A] : memref<80x128xi32, #tpu.memory_space<vmem>> -> memref<1x128xi32, #tpu.memory_space<vmem>>
      %dma_start3A_23 = tpu.memref_squeeze %dma_start3A_22 : memref<1x128xi32, #tpu.memory_space<vmem>> -> memref<128xi32, #tpu.memory_space<vmem>>
      %dma_start3A_24 = arith.constant 0 : i32
      %dma_start3A_25 = arith.constant 0 : i32
      %dma_start3A_26 = tpu.memref_slice %arg8[%dma_start3A_24, %dma_start3A_25] : memref<10240x128xf32, #tpu.memory_space<vmem_shared>> -> memref<10240x128xf32, #tpu.memory_space<vmem_shared>>
      tpu.enqueue_indirect_dma source(%arg7 : memref<128x128xf32, #tpu.memory_space<vmem>>) target(%dma_start3A_26 : memref<10240x128xf32, #tpu.memory_space<vmem_shared>>) offsets(%dma_start3A_23 : memref<128xi32, #tpu.memory_space<vmem>>) semaphore(%arg9 : memref<!tpu.dma_semaphore, #tpu.memory_space<semaphore_mem>>) {add = true}
    }
    %scan3A_9 = arith.constant 80 : i32
    %scan3A_10 = arith.constant 0 : i32
    %scan3A_11 = arith.constant 0 : i32
    %scan3A_12 = arith.constant 80 : i32
    %scan3A_13 = arith.addi %scan3A_11, %scan3A_12 : i32
    %scan3A_14 = arith.constant 1 : i32
    scf.for %scan3A_21 = %scan3A_11 to %scan3A_13 step %scan3A_14  : i32 {
      %dma_wait3A = arith.constant 0 : i32
      %dma_wait3A_22 = tpu.memref_slice %arg6[%scan3A_21, %dma_wait3A] : memref<80x128xi32, #tpu.memory_space<vmem>> -> memref<1x128xi32, #tpu.memory_space<vmem>>
      %dma_wait3A_23 = tpu.memref_squeeze %dma_wait3A_22 : memref<1x128xi32, #tpu.memory_space<vmem>> -> memref<128xi32, #tpu.memory_space<vmem>>
      %dma_wait3A_24 = arith.constant 0 : i32
      %dma_wait3A_25 = arith.constant 0 : i32
      %dma_wait3A_26 = tpu.memref_slice %arg8[%dma_wait3A_24, %dma_wait3A_25] : memref<10240x128xf32, #tpu.memory_space<vmem_shared>> -> memref<10240x128xf32, #tpu.memory_space<vmem_shared>>
      tpu.wait_indirect_dma semaphore(%arg9 : memref<!tpu.dma_semaphore, #tpu.memory_space<semaphore_mem>>) src(%arg7 : memref<128x128xf32, #tpu.memory_space<vmem>>) dst(%dma_wait3A_26 : memref<10240x128xf32, #tpu.memory_space<vmem_shared>>)
    }
    %scan3A_15 = arith.constant 80 : i32
    %barrier3A_16 = arith.constant 0 : index
    tpu.barrier barrier_id(%barrier3A_16)
    %mul3A_17 = arith.constant 640 : i32
    %mul3A_18 = arith.muli %arg1, %mul3A_17 : i32
    %mul3A_19 = arith.constant 640 : i32
    %mul3A_20 = arith.muli %arg1, %mul3A_19 : i32
    "tpu.region"() ({
      %run_scoped3A = tpu.sem_alloc : memref<!tpu.dma_semaphore, #tpu.memory_space<semaphore_mem>>
      %dma_start3A = arith.constant 0 : i32
      %dma_start3A_21 = tpu.memref_slice %arg5[%arg0, %mul3A_20, %dma_start3A] : memref<2x10240x128xf32, #tpu.memory_space<hbm>> -> memref<1x640x128xf32, #tpu.memory_space<hbm>>
      %dma_start3A_22 = tpu.memref_squeeze %dma_start3A_21 : memref<1x640x128xf32, #tpu.memory_space<hbm>> -> memref<640x128xf32, #tpu.memory_space<hbm>>
      %dma_start3A_23 = arith.constant 0 : i32
      %dma_start3A_24 = tpu.memref_slice %arg8[%mul3A_18, %dma_start3A_23] : memref<10240x128xf32, #tpu.memory_space<vmem_shared>> -> memref<640x128xf32, #tpu.memory_space<vmem_shared>>
      tpu.enqueue_dma source(%dma_start3A_24 : memref<640x128xf32, #tpu.memory_space<vmem_shared>>) target(%dma_start3A_22 : memref<640x128xf32, #tpu.memory_space<hbm>>) target_semaphore(%run_scoped3A : memref<!tpu.dma_semaphore, #tpu.memory_space<semaphore_mem>>)
      %dma_wait3A = arith.constant 0 : i32
      %dma_wait3A_25 = tpu.memref_slice %arg5[%arg0, %mul3A_20, %dma_wait3A] : memref<2x10240x128xf32, #tpu.memory_space<hbm>> -> memref<1x640x128xf32, #tpu.memory_space<hbm>>
      %dma_wait3A_26 = tpu.memref_squeeze %dma_wait3A_25 : memref<1x640x128xf32, #tpu.memory_space<hbm>> -> memref<640x128xf32, #tpu.memory_space<hbm>>
      %dma_wait3A_27 = arith.constant 0 : i32
      %dma_wait3A_28 = tpu.memref_slice %arg8[%mul3A_18, %dma_wait3A_27] : memref<10240x128xf32, #tpu.memory_space<vmem_shared>> -> memref<640x128xf32, #tpu.memory_space<vmem_shared>>
      tpu.wait_dma2 semaphore(%run_scoped3A : memref<!tpu.dma_semaphore, #tpu.memory_space<semaphore_mem>>) src(%dma_wait3A_28 : memref<640x128xf32, #tpu.memory_space<vmem_shared>>) dst(%dma_wait3A_26 : memref<640x128xf32, #tpu.memory_space<hbm>>)
      tpu.yield
    }) : () -> ()
    return
  }
}

#map = affine_map<(d0, d1) -> (0, 0)>
#map1 = affine_map<(d0, d1) -> (0, 0, 0)>
module attributes {stable_mosaic.version = 14 : i64} {
  func.func @_agg_kernel(%arg0: i32, %arg1: i32, %arg2: memref<10000x128xf32, #tpu.memory_space<hbm>>, %arg3: memref<32x80x128xi32, #tpu.memory_space<hbm>>, %arg4: memref<32x80x128xi32, #tpu.memory_space<hbm>>, %arg5: memref<10240x128xf32, #tpu.memory_space<hbm>>, %arg6: memref<2x10240x128xf32, #tpu.memory_space<hbm>>, %arg7: memref<40x128xi32, #tpu.memory_space<vmem>>, %arg8: memref<40x128xi32, #tpu.memory_space<vmem>>, %arg9: memref<128x128xf32, #tpu.memory_space<vmem>>, %arg10: memref<128x128xf32, #tpu.memory_space<vmem>>, %arg11: memref<10240x128xf32, #tpu.memory_space<vmem_shared>>, %arg12: memref<!tpu.dma_semaphore, #tpu.memory_space<semaphore_mem>>) attributes {dimension_semantics = [#tpu.dimension_semantics<core_parallel>, #tpu.dimension_semantics<subcore_parallel>], iteration_bounds = array<i64: 2, 16>, scalar_prefetch = 0 : i64, scratch_operands = 6 : i64, tpu.core_type = #tpu.core_type<sc_vector_subcore>, window_params = [{transform_indices = #map}, {transform_indices = #map1}, {transform_indices = #map1}, {transform_indices = #map}, {transform_indices = #map1}]} {
    %mul3A = arith.constant 16 : i32
    %mul3A_0 = arith.muli %arg0, %mul3A : i32
    %add3A = arith.addi %mul3A_0, %arg1 : i32
    %mul3A_1 = arith.constant 640 : i32
    %mul3A_2 = arith.muli %arg1, %mul3A_1 : i32
    %mul3A_3 = arith.constant 640 : i32
    %mul3A_4 = arith.muli %arg1, %mul3A_3 : i32
    "tpu.region"() ({
      %run_scoped3A = tpu.sem_alloc : memref<!tpu.dma_semaphore, #tpu.memory_space<semaphore_mem>>
      %dma_start3A_34 = arith.constant 0 : i32
      %dma_start3A_35 = tpu.memref_slice %arg11[%mul3A_4, %dma_start3A_34] : memref<10240x128xf32, #tpu.memory_space<vmem_shared>> -> memref<640x128xf32, #tpu.memory_space<vmem_shared>>
      %dma_start3A_36 = arith.constant 0 : i32
      %dma_start3A_37 = tpu.memref_slice %arg5[%mul3A_2, %dma_start3A_36] : memref<10240x128xf32, #tpu.memory_space<hbm>> -> memref<640x128xf32, #tpu.memory_space<hbm>>
      tpu.enqueue_dma source(%dma_start3A_37 : memref<640x128xf32, #tpu.memory_space<hbm>>) target(%dma_start3A_35 : memref<640x128xf32, #tpu.memory_space<vmem_shared>>) target_semaphore(%run_scoped3A : memref<!tpu.dma_semaphore, #tpu.memory_space<semaphore_mem>>)
      %dma_wait3A = arith.constant 0 : i32
      %dma_wait3A_38 = tpu.memref_slice %arg11[%mul3A_4, %dma_wait3A] : memref<10240x128xf32, #tpu.memory_space<vmem_shared>> -> memref<640x128xf32, #tpu.memory_space<vmem_shared>>
      %dma_wait3A_39 = arith.constant 0 : i32
      %dma_wait3A_40 = tpu.memref_slice %arg5[%mul3A_2, %dma_wait3A_39] : memref<10240x128xf32, #tpu.memory_space<hbm>> -> memref<640x128xf32, #tpu.memory_space<hbm>>
      tpu.wait_dma2 semaphore(%run_scoped3A : memref<!tpu.dma_semaphore, #tpu.memory_space<semaphore_mem>>) src(%dma_wait3A_40 : memref<640x128xf32, #tpu.memory_space<hbm>>) dst(%dma_wait3A_38 : memref<640x128xf32, #tpu.memory_space<vmem_shared>>)
      tpu.yield
    }) : () -> ()
    %barrier3A = arith.constant 0 : index
    tpu.barrier barrier_id(%barrier3A)
    "tpu.region"() ({
      %run_scoped3A = tpu.sem_alloc : memref<!tpu.dma_semaphore, #tpu.memory_space<semaphore_mem>>
      %dma_start3A_34 = arith.constant 0 : i32
      %dma_start3A_35 = arith.constant 0 : i32
      %dma_start3A_36 = tpu.memref_slice %arg3[%add3A, %dma_start3A_34, %dma_start3A_35] : memref<32x80x128xi32, #tpu.memory_space<hbm>> -> memref<1x40x128xi32, #tpu.memory_space<hbm>>
      %dma_start3A_37 = tpu.memref_squeeze %dma_start3A_36 : memref<1x40x128xi32, #tpu.memory_space<hbm>> -> memref<40x128xi32, #tpu.memory_space<hbm>>
      %dma_start3A_38 = arith.constant 0 : i32
      %dma_start3A_39 = arith.constant 0 : i32
      %dma_start3A_40 = tpu.memref_slice %arg3[%add3A, %dma_start3A_38, %dma_start3A_39] : memref<32x80x128xi32, #tpu.memory_space<hbm>> -> memref<1x40x128xi32, #tpu.memory_space<hbm>>
      %dma_start3A_41 = tpu.memref_squeeze %dma_start3A_40 : memref<1x40x128xi32, #tpu.memory_space<hbm>> -> memref<40x128xi32, #tpu.memory_space<hbm>>
      tpu.enqueue_dma source(%dma_start3A_41 : memref<40x128xi32, #tpu.memory_space<hbm>>) target(%arg7 : memref<40x128xi32, #tpu.memory_space<vmem>>) target_semaphore(%run_scoped3A : memref<!tpu.dma_semaphore, #tpu.memory_space<semaphore_mem>>)
      %dma_wait3A = arith.constant 0 : i32
      %dma_wait3A_42 = arith.constant 0 : i32
      %dma_wait3A_43 = tpu.memref_slice %arg3[%add3A, %dma_wait3A, %dma_wait3A_42] : memref<32x80x128xi32, #tpu.memory_space<hbm>> -> memref<1x40x128xi32, #tpu.memory_space<hbm>>
      %dma_wait3A_44 = tpu.memref_squeeze %dma_wait3A_43 : memref<1x40x128xi32, #tpu.memory_space<hbm>> -> memref<40x128xi32, #tpu.memory_space<hbm>>
      %dma_wait3A_45 = arith.constant 0 : i32
      %dma_wait3A_46 = arith.constant 0 : i32
      %dma_wait3A_47 = tpu.memref_slice %arg3[%add3A, %dma_wait3A_45, %dma_wait3A_46] : memref<32x80x128xi32, #tpu.memory_space<hbm>> -> memref<1x40x128xi32, #tpu.memory_space<hbm>>
      %dma_wait3A_48 = tpu.memref_squeeze %dma_wait3A_47 : memref<1x40x128xi32, #tpu.memory_space<hbm>> -> memref<40x128xi32, #tpu.memory_space<hbm>>
      tpu.wait_dma2 semaphore(%run_scoped3A : memref<!tpu.dma_semaphore, #tpu.memory_space<semaphore_mem>>) src(%dma_wait3A_48 : memref<40x128xi32, #tpu.memory_space<hbm>>) dst(%arg7 : memref<40x128xi32, #tpu.memory_space<vmem>>)
      tpu.yield
    }) : () -> ()
    "tpu.region"() ({
      %run_scoped3A = tpu.sem_alloc : memref<!tpu.dma_semaphore, #tpu.memory_space<semaphore_mem>>
      %dma_start3A_34 = arith.constant 0 : i32
      %dma_start3A_35 = arith.constant 0 : i32
      %dma_start3A_36 = tpu.memref_slice %arg4[%add3A, %dma_start3A_34, %dma_start3A_35] : memref<32x80x128xi32, #tpu.memory_space<hbm>> -> memref<1x40x128xi32, #tpu.memory_space<hbm>>
      %dma_start3A_37 = tpu.memref_squeeze %dma_start3A_36 : memref<1x40x128xi32, #tpu.memory_space<hbm>> -> memref<40x128xi32, #tpu.memory_space<hbm>>
      %dma_start3A_38 = arith.constant 0 : i32
      %dma_start3A_39 = arith.constant 0 : i32
      %dma_start3A_40 = tpu.memref_slice %arg4[%add3A, %dma_start3A_38, %dma_start3A_39] : memref<32x80x128xi32, #tpu.memory_space<hbm>> -> memref<1x40x128xi32, #tpu.memory_space<hbm>>
      %dma_start3A_41 = tpu.memref_squeeze %dma_start3A_40 : memref<1x40x128xi32, #tpu.memory_space<hbm>> -> memref<40x128xi32, #tpu.memory_space<hbm>>
      tpu.enqueue_dma source(%dma_start3A_41 : memref<40x128xi32, #tpu.memory_space<hbm>>) target(%arg8 : memref<40x128xi32, #tpu.memory_space<vmem>>) target_semaphore(%run_scoped3A : memref<!tpu.dma_semaphore, #tpu.memory_space<semaphore_mem>>)
      %dma_wait3A = arith.constant 0 : i32
      %dma_wait3A_42 = arith.constant 0 : i32
      %dma_wait3A_43 = tpu.memref_slice %arg4[%add3A, %dma_wait3A, %dma_wait3A_42] : memref<32x80x128xi32, #tpu.memory_space<hbm>> -> memref<1x40x128xi32, #tpu.memory_space<hbm>>
      %dma_wait3A_44 = tpu.memref_squeeze %dma_wait3A_43 : memref<1x40x128xi32, #tpu.memory_space<hbm>> -> memref<40x128xi32, #tpu.memory_space<hbm>>
      %dma_wait3A_45 = arith.constant 0 : i32
      %dma_wait3A_46 = arith.constant 0 : i32
      %dma_wait3A_47 = tpu.memref_slice %arg4[%add3A, %dma_wait3A_45, %dma_wait3A_46] : memref<32x80x128xi32, #tpu.memory_space<hbm>> -> memref<1x40x128xi32, #tpu.memory_space<hbm>>
      %dma_wait3A_48 = tpu.memref_squeeze %dma_wait3A_47 : memref<1x40x128xi32, #tpu.memory_space<hbm>> -> memref<40x128xi32, #tpu.memory_space<hbm>>
      tpu.wait_dma2 semaphore(%run_scoped3A : memref<!tpu.dma_semaphore, #tpu.memory_space<semaphore_mem>>) src(%dma_wait3A_48 : memref<40x128xi32, #tpu.memory_space<hbm>>) dst(%arg8 : memref<40x128xi32, #tpu.memory_space<vmem>>)
      tpu.yield
    }) : () -> ()
    %dma_start3A = arith.constant 0 : i32
    %dma_start3A_5 = arith.constant 0 : i32
    %dma_start3A_6 = tpu.memref_slice %arg7[%dma_start3A, %dma_start3A_5] : memref<40x128xi32, #tpu.memory_space<vmem>> -> memref<1x128xi32, #tpu.memory_space<vmem>>
    %dma_start3A_7 = tpu.memref_squeeze %dma_start3A_6 : memref<1x128xi32, #tpu.memory_space<vmem>> -> memref<128xi32, #tpu.memory_space<vmem>>
    %dma_start3A_8 = arith.constant 0 : i32
    %dma_start3A_9 = arith.constant 0 : i32
    %dma_start3A_10 = tpu.memref_slice %arg2[%dma_start3A_8, %dma_start3A_9] : memref<10000x128xf32, #tpu.memory_space<hbm>> -> memref<10000x128xf32, #tpu.memory_space<hbm>>
    tpu.enqueue_indirect_dma source(%dma_start3A_10 : memref<10000x128xf32, #tpu.memory_space<hbm>>) target(%arg9 : memref<128x128xf32, #tpu.memory_space<vmem>>) offsets(%dma_start3A_7 : memref<128xi32, #tpu.memory_space<vmem>>) semaphore(%arg12 : memref<!tpu.dma_semaphore, #tpu.memory_space<semaphore_mem>>)
    %scan3A = arith.constant 0 : i32
    %scan3A_11 = arith.constant 0 : i32
    %scan3A_12 = arith.constant 20 : i32
    %scan3A_13 = arith.addi %scan3A_11, %scan3A_12 : i32
    %scan3A_14 = arith.constant 1 : i32
    scf.for %scan3A_34 = %scan3A_11 to %scan3A_13 step %scan3A_14  : i32 {
      %mul3A_35 = arith.constant 2 : i32
      %mul3A_36 = arith.muli %mul3A_35, %scan3A_34 : i32
      %dma_wait3A = arith.constant 0 : i32
      %dma_wait3A_37 = tpu.memref_slice %arg7[%mul3A_36, %dma_wait3A] : memref<40x128xi32, #tpu.memory_space<vmem>> -> memref<1x128xi32, #tpu.memory_space<vmem>>
      %dma_wait3A_38 = tpu.memref_squeeze %dma_wait3A_37 : memref<1x128xi32, #tpu.memory_space<vmem>> -> memref<128xi32, #tpu.memory_space<vmem>>
      %dma_wait3A_39 = arith.constant 0 : i32
      %dma_wait3A_40 = arith.constant 0 : i32
      %dma_wait3A_41 = tpu.memref_slice %arg2[%dma_wait3A_39, %dma_wait3A_40] : memref<10000x128xf32, #tpu.memory_space<hbm>> -> memref<10000x128xf32, #tpu.memory_space<hbm>>
      tpu.wait_indirect_dma semaphore(%arg12 : memref<!tpu.dma_semaphore, #tpu.memory_space<semaphore_mem>>) src(%dma_wait3A_41 : memref<10000x128xf32, #tpu.memory_space<hbm>>) dst(%arg9 : memref<128x128xf32, #tpu.memory_space<vmem>>)
      %add3A_42 = arith.constant 1 : i32
      %add3A_43 = arith.addi %mul3A_36, %add3A_42 : i32
      %dma_start3A_44 = arith.constant 0 : i32
      %dma_start3A_45 = tpu.memref_slice %arg7[%add3A_43, %dma_start3A_44] : memref<40x128xi32, #tpu.memory_space<vmem>> -> memref<1x128xi32, #tpu.memory_space<vmem>>
      %dma_start3A_46 = tpu.memref_squeeze %dma_start3A_45 : memref<1x128xi32, #tpu.memory_space<vmem>> -> memref<128xi32, #tpu.memory_space<vmem>>
      %dma_start3A_47 = arith.constant 0 : i32
      %dma_start3A_48 = arith.constant 0 : i32
      %dma_start3A_49 = tpu.memref_slice %arg2[%dma_start3A_47, %dma_start3A_48] : memref<10000x128xf32, #tpu.memory_space<hbm>> -> memref<10000x128xf32, #tpu.memory_space<hbm>>
      tpu.enqueue_indirect_dma source(%dma_start3A_49 : memref<10000x128xf32, #tpu.memory_space<hbm>>) target(%arg10 : memref<128x128xf32, #tpu.memory_space<vmem>>) offsets(%dma_start3A_46 : memref<128xi32, #tpu.memory_space<vmem>>) semaphore(%arg12 : memref<!tpu.dma_semaphore, #tpu.memory_space<semaphore_mem>>)
      "tpu.region"() ({
        %run_scoped3A = tpu.sem_alloc : memref<!tpu.dma_semaphore, #tpu.memory_space<semaphore_mem>>
        %dma_start3A_64 = arith.constant 0 : i32
        %dma_start3A_65 = tpu.memref_slice %arg8[%mul3A_36, %dma_start3A_64] : memref<40x128xi32, #tpu.memory_space<vmem>> -> memref<1x128xi32, #tpu.memory_space<vmem>>
        %dma_start3A_66 = tpu.memref_squeeze %dma_start3A_65 : memref<1x128xi32, #tpu.memory_space<vmem>> -> memref<128xi32, #tpu.memory_space<vmem>>
        %dma_start3A_67 = arith.constant 0 : i32
        %dma_start3A_68 = arith.constant 0 : i32
        %dma_start3A_69 = tpu.memref_slice %arg11[%dma_start3A_67, %dma_start3A_68] : memref<10240x128xf32, #tpu.memory_space<vmem_shared>> -> memref<10240x128xf32, #tpu.memory_space<vmem_shared>>
        tpu.enqueue_indirect_dma source(%arg9 : memref<128x128xf32, #tpu.memory_space<vmem>>) target(%dma_start3A_69 : memref<10240x128xf32, #tpu.memory_space<vmem_shared>>) offsets(%dma_start3A_66 : memref<128xi32, #tpu.memory_space<vmem>>) semaphore(%run_scoped3A : memref<!tpu.dma_semaphore, #tpu.memory_space<semaphore_mem>>) {add = true}
        %dma_wait3A_70 = arith.constant 0 : i32
        %dma_wait3A_71 = tpu.memref_slice %arg8[%mul3A_36, %dma_wait3A_70] : memref<40x128xi32, #tpu.memory_space<vmem>> -> memref<1x128xi32, #tpu.memory_space<vmem>>
        %dma_wait3A_72 = tpu.memref_squeeze %dma_wait3A_71 : memref<1x128xi32, #tpu.memory_space<vmem>> -> memref<128xi32, #tpu.memory_space<vmem>>
        %dma_wait3A_73 = arith.constant 0 : i32
        %dma_wait3A_74 = arith.constant 0 : i32
        %dma_wait3A_75 = tpu.memref_slice %arg11[%dma_wait3A_73, %dma_wait3A_74] : memref<10240x128xf32, #tpu.memory_space<vmem_shared>> -> memref<10240x128xf32, #tpu.memory_space<vmem_shared>>
        tpu.wait_indirect_dma semaphore(%run_scoped3A : memref<!tpu.dma_semaphore, #tpu.memory_space<semaphore_mem>>) src(%arg9 : memref<128x128xf32, #tpu.memory_space<vmem>>) dst(%dma_wait3A_75 : memref<10240x128xf32, #tpu.memory_space<vmem_shared>>)
        tpu.yield
      }) : () -> ()
      %add3A_50 = arith.constant 1 : i32
      %add3A_51 = arith.addi %mul3A_36, %add3A_50 : i32
      %dma_wait3A_52 = arith.constant 0 : i32
      %dma_wait3A_53 = tpu.memref_slice %arg7[%add3A_51, %dma_wait3A_52] : memref<40x128xi32, #tpu.memory_space<vmem>> -> memref<1x128xi32, #tpu.memory_space<vmem>>
      %dma_wait3A_54 = tpu.memref_squeeze %dma_wait3A_53 : memref<1x128xi32, #tpu.memory_space<vmem>> -> memref<128xi32, #tpu.memory_space<vmem>>
      %dma_wait3A_55 = arith.constant 0 : i32
      %dma_wait3A_56 = arith.constant 0 : i32
      %dma_wait3A_57 = tpu.memref_slice %arg2[%dma_wait3A_55, %dma_wait3A_56] : memref<10000x128xf32, #tpu.memory_space<hbm>> -> memref<10000x128xf32, #tpu.memory_space<hbm>>
      tpu.wait_indirect_dma semaphore(%arg12 : memref<!tpu.dma_semaphore, #tpu.memory_space<semaphore_mem>>) src(%dma_wait3A_57 : memref<10000x128xf32, #tpu.memory_space<hbm>>) dst(%arg10 : memref<128x128xf32, #tpu.memory_space<vmem>>)
      %add3A_58 = arith.constant 2 : i32
      %add3A_59 = arith.addi %mul3A_36, %add3A_58 : i32
      %lt3A = arith.constant 40 : i32
      %lt3A_60 = arith.cmpi slt, %add3A_59, %lt3A : i32
      %convert_element_type3A = arith.extui %lt3A_60 : i1 to i32
      %cond3A = arith.constant 0 : i32
      %cond3A_61 = arith.cmpi ne, %convert_element_type3A, %cond3A : i32
      scf.if %cond3A_61 {
        %add3A_64 = arith.constant 2 : i32
        %add3A_65 = arith.addi %mul3A_36, %add3A_64 : i32
        %dma_start3A_66 = arith.constant 0 : i32
        %dma_start3A_67 = tpu.memref_slice %arg7[%add3A_65, %dma_start3A_66] : memref<40x128xi32, #tpu.memory_space<vmem>> -> memref<1x128xi32, #tpu.memory_space<vmem>>
        %dma_start3A_68 = tpu.memref_squeeze %dma_start3A_67 : memref<1x128xi32, #tpu.memory_space<vmem>> -> memref<128xi32, #tpu.memory_space<vmem>>
        %dma_start3A_69 = arith.constant 0 : i32
        %dma_start3A_70 = arith.constant 0 : i32
        %dma_start3A_71 = tpu.memref_slice %arg2[%dma_start3A_69, %dma_start3A_70] : memref<10000x128xf32, #tpu.memory_space<hbm>> -> memref<10000x128xf32, #tpu.memory_space<hbm>>
        tpu.enqueue_indirect_dma source(%dma_start3A_71 : memref<10000x128xf32, #tpu.memory_space<hbm>>) target(%arg9 : memref<128x128xf32, #tpu.memory_space<vmem>>) offsets(%dma_start3A_68 : memref<128xi32, #tpu.memory_space<vmem>>) semaphore(%arg12 : memref<!tpu.dma_semaphore, #tpu.memory_space<semaphore_mem>>)
      } else {
      }
      %add3A_62 = arith.constant 1 : i32
      %add3A_63 = arith.addi %mul3A_36, %add3A_62 : i32
      "tpu.region"() ({
        %run_scoped3A = tpu.sem_alloc : memref<!tpu.dma_semaphore, #tpu.memory_space<semaphore_mem>>
        %dma_start3A_64 = arith.constant 0 : i32
        %dma_start3A_65 = tpu.memref_slice %arg8[%add3A_63, %dma_start3A_64] : memref<40x128xi32, #tpu.memory_space<vmem>> -> memref<1x128xi32, #tpu.memory_space<vmem>>
        %dma_start3A_66 = tpu.memref_squeeze %dma_start3A_65 : memref<1x128xi32, #tpu.memory_space<vmem>> -> memref<128xi32, #tpu.memory_space<vmem>>
        %dma_start3A_67 = arith.constant 0 : i32
        %dma_start3A_68 = arith.constant 0 : i32
        %dma_start3A_69 = tpu.memref_slice %arg11[%dma_start3A_67, %dma_start3A_68] : memref<10240x128xf32, #tpu.memory_space<vmem_shared>> -> memref<10240x128xf32, #tpu.memory_space<vmem_shared>>
        tpu.enqueue_indirect_dma source(%arg10 : memref<128x128xf32, #tpu.memory_space<vmem>>) target(%dma_start3A_69 : memref<10240x128xf32, #tpu.memory_space<vmem_shared>>) offsets(%dma_start3A_66 : memref<128xi32, #tpu.memory_space<vmem>>) semaphore(%run_scoped3A : memref<!tpu.dma_semaphore, #tpu.memory_space<semaphore_mem>>) {add = true}
        %dma_wait3A_70 = arith.constant 0 : i32
        %dma_wait3A_71 = tpu.memref_slice %arg8[%add3A_63, %dma_wait3A_70] : memref<40x128xi32, #tpu.memory_space<vmem>> -> memref<1x128xi32, #tpu.memory_space<vmem>>
        %dma_wait3A_72 = tpu.memref_squeeze %dma_wait3A_71 : memref<1x128xi32, #tpu.memory_space<vmem>> -> memref<128xi32, #tpu.memory_space<vmem>>
        %dma_wait3A_73 = arith.constant 0 : i32
        %dma_wait3A_74 = arith.constant 0 : i32
        %dma_wait3A_75 = tpu.memref_slice %arg11[%dma_wait3A_73, %dma_wait3A_74] : memref<10240x128xf32, #tpu.memory_space<vmem_shared>> -> memref<10240x128xf32, #tpu.memory_space<vmem_shared>>
        tpu.wait_indirect_dma semaphore(%run_scoped3A : memref<!tpu.dma_semaphore, #tpu.memory_space<semaphore_mem>>) src(%arg10 : memref<128x128xf32, #tpu.memory_space<vmem>>) dst(%dma_wait3A_75 : memref<10240x128xf32, #tpu.memory_space<vmem_shared>>)
        tpu.yield
      }) : () -> ()
    }
    %scan3A_15 = arith.constant 20 : i32
    "tpu.region"() ({
      %run_scoped3A = tpu.sem_alloc : memref<!tpu.dma_semaphore, #tpu.memory_space<semaphore_mem>>
      %dma_start3A_34 = arith.constant 40 : i32
      %dma_start3A_35 = arith.constant 0 : i32
      %dma_start3A_36 = tpu.memref_slice %arg3[%add3A, %dma_start3A_34, %dma_start3A_35] : memref<32x80x128xi32, #tpu.memory_space<hbm>> -> memref<1x40x128xi32, #tpu.memory_space<hbm>>
      %dma_start3A_37 = tpu.memref_squeeze %dma_start3A_36 : memref<1x40x128xi32, #tpu.memory_space<hbm>> -> memref<40x128xi32, #tpu.memory_space<hbm>>
      %dma_start3A_38 = arith.constant 40 : i32
      %dma_start3A_39 = arith.constant 0 : i32
      %dma_start3A_40 = tpu.memref_slice %arg3[%add3A, %dma_start3A_38, %dma_start3A_39] : memref<32x80x128xi32, #tpu.memory_space<hbm>> -> memref<1x40x128xi32, #tpu.memory_space<hbm>>
      %dma_start3A_41 = tpu.memref_squeeze %dma_start3A_40 : memref<1x40x128xi32, #tpu.memory_space<hbm>> -> memref<40x128xi32, #tpu.memory_space<hbm>>
      tpu.enqueue_dma source(%dma_start3A_41 : memref<40x128xi32, #tpu.memory_space<hbm>>) target(%arg7 : memref<40x128xi32, #tpu.memory_space<vmem>>) target_semaphore(%run_scoped3A : memref<!tpu.dma_semaphore, #tpu.memory_space<semaphore_mem>>)
      %dma_wait3A = arith.constant 40 : i32
      %dma_wait3A_42 = arith.constant 0 : i32
      %dma_wait3A_43 = tpu.memref_slice %arg3[%add3A, %dma_wait3A, %dma_wait3A_42] : memref<32x80x128xi32, #tpu.memory_space<hbm>> -> memref<1x40x128xi32, #tpu.memory_space<hbm>>
      %dma_wait3A_44 = tpu.memref_squeeze %dma_wait3A_43 : memref<1x40x128xi32, #tpu.memory_space<hbm>> -> memref<40x128xi32, #tpu.memory_space<hbm>>
      %dma_wait3A_45 = arith.constant 40 : i32
      %dma_wait3A_46 = arith.constant 0 : i32
      %dma_wait3A_47 = tpu.memref_slice %arg3[%add3A, %dma_wait3A_45, %dma_wait3A_46] : memref<32x80x128xi32, #tpu.memory_space<hbm>> -> memref<1x40x128xi32, #tpu.memory_space<hbm>>
      %dma_wait3A_48 = tpu.memref_squeeze %dma_wait3A_47 : memref<1x40x128xi32, #tpu.memory_space<hbm>> -> memref<40x128xi32, #tpu.memory_space<hbm>>
      tpu.wait_dma2 semaphore(%run_scoped3A : memref<!tpu.dma_semaphore, #tpu.memory_space<semaphore_mem>>) src(%dma_wait3A_48 : memref<40x128xi32, #tpu.memory_space<hbm>>) dst(%arg7 : memref<40x128xi32, #tpu.memory_space<vmem>>)
      tpu.yield
    }) : () -> ()
    "tpu.region"() ({
      %run_scoped3A = tpu.sem_alloc : memref<!tpu.dma_semaphore, #tpu.memory_space<semaphore_mem>>
      %dma_start3A_34 = arith.constant 40 : i32
      %dma_start3A_35 = arith.constant 0 : i32
      %dma_start3A_36 = tpu.memref_slice %arg4[%add3A, %dma_start3A_34, %dma_start3A_35] : memref<32x80x128xi32, #tpu.memory_space<hbm>> -> memref<1x40x128xi32, #tpu.memory_space<hbm>>
      %dma_start3A_37 = tpu.memref_squeeze %dma_start3A_36 : memref<1x40x128xi32, #tpu.memory_space<hbm>> -> memref<40x128xi32, #tpu.memory_space<hbm>>
      %dma_start3A_38 = arith.constant 40 : i32
      %dma_start3A_39 = arith.constant 0 : i32
      %dma_start3A_40 = tpu.memref_slice %arg4[%add3A, %dma_start3A_38, %dma_start3A_39] : memref<32x80x128xi32, #tpu.memory_space<hbm>> -> memref<1x40x128xi32, #tpu.memory_space<hbm>>
      %dma_start3A_41 = tpu.memref_squeeze %dma_start3A_40 : memref<1x40x128xi32, #tpu.memory_space<hbm>> -> memref<40x128xi32, #tpu.memory_space<hbm>>
      tpu.enqueue_dma source(%dma_start3A_41 : memref<40x128xi32, #tpu.memory_space<hbm>>) target(%arg8 : memref<40x128xi32, #tpu.memory_space<vmem>>) target_semaphore(%run_scoped3A : memref<!tpu.dma_semaphore, #tpu.memory_space<semaphore_mem>>)
      %dma_wait3A = arith.constant 40 : i32
      %dma_wait3A_42 = arith.constant 0 : i32
      %dma_wait3A_43 = tpu.memref_slice %arg4[%add3A, %dma_wait3A, %dma_wait3A_42] : memref<32x80x128xi32, #tpu.memory_space<hbm>> -> memref<1x40x128xi32, #tpu.memory_space<hbm>>
      %dma_wait3A_44 = tpu.memref_squeeze %dma_wait3A_43 : memref<1x40x128xi32, #tpu.memory_space<hbm>> -> memref<40x128xi32, #tpu.memory_space<hbm>>
      %dma_wait3A_45 = arith.constant 40 : i32
      %dma_wait3A_46 = arith.constant 0 : i32
      %dma_wait3A_47 = tpu.memref_slice %arg4[%add3A, %dma_wait3A_45, %dma_wait3A_46] : memref<32x80x128xi32, #tpu.memory_space<hbm>> -> memref<1x40x128xi32, #tpu.memory_space<hbm>>
      %dma_wait3A_48 = tpu.memref_squeeze %dma_wait3A_47 : memref<1x40x128xi32, #tpu.memory_space<hbm>> -> memref<40x128xi32, #tpu.memory_space<hbm>>
      tpu.wait_dma2 semaphore(%run_scoped3A : memref<!tpu.dma_semaphore, #tpu.memory_space<semaphore_mem>>) src(%dma_wait3A_48 : memref<40x128xi32, #tpu.memory_space<hbm>>) dst(%arg8 : memref<40x128xi32, #tpu.memory_space<vmem>>)
      tpu.yield
    }) : () -> ()
    %dma_start3A_16 = arith.constant 0 : i32
    %dma_start3A_17 = arith.constant 0 : i32
    %dma_start3A_18 = tpu.memref_slice %arg7[%dma_start3A_16, %dma_start3A_17] : memref<40x128xi32, #tpu.memory_space<vmem>> -> memref<1x128xi32, #tpu.memory_space<vmem>>
    %dma_start3A_19 = tpu.memref_squeeze %dma_start3A_18 : memref<1x128xi32, #tpu.memory_space<vmem>> -> memref<128xi32, #tpu.memory_space<vmem>>
    %dma_start3A_20 = arith.constant 0 : i32
    %dma_start3A_21 = arith.constant 0 : i32
    %dma_start3A_22 = tpu.memref_slice %arg2[%dma_start3A_20, %dma_start3A_21] : memref<10000x128xf32, #tpu.memory_space<hbm>> -> memref<10000x128xf32, #tpu.memory_space<hbm>>
    tpu.enqueue_indirect_dma source(%dma_start3A_22 : memref<10000x128xf32, #tpu.memory_space<hbm>>) target(%arg9 : memref<128x128xf32, #tpu.memory_space<vmem>>) offsets(%dma_start3A_19 : memref<128xi32, #tpu.memory_space<vmem>>) semaphore(%arg12 : memref<!tpu.dma_semaphore, #tpu.memory_space<semaphore_mem>>)
    %scan3A_23 = arith.constant 0 : i32
    %scan3A_24 = arith.constant 0 : i32
    %scan3A_25 = arith.constant 20 : i32
    %scan3A_26 = arith.addi %scan3A_24, %scan3A_25 : i32
    %scan3A_27 = arith.constant 1 : i32
    scf.for %scan3A_34 = %scan3A_24 to %scan3A_26 step %scan3A_27  : i32 {
      %mul3A_35 = arith.constant 2 : i32
      %mul3A_36 = arith.muli %mul3A_35, %scan3A_34 : i32
      %dma_wait3A = arith.constant 0 : i32
      %dma_wait3A_37 = tpu.memref_slice %arg7[%mul3A_36, %dma_wait3A] : memref<40x128xi32, #tpu.memory_space<vmem>> -> memref<1x128xi32, #tpu.memory_space<vmem>>
      %dma_wait3A_38 = tpu.memref_squeeze %dma_wait3A_37 : memref<1x128xi32, #tpu.memory_space<vmem>> -> memref<128xi32, #tpu.memory_space<vmem>>
      %dma_wait3A_39 = arith.constant 0 : i32
      %dma_wait3A_40 = arith.constant 0 : i32
      %dma_wait3A_41 = tpu.memref_slice %arg2[%dma_wait3A_39, %dma_wait3A_40] : memref<10000x128xf32, #tpu.memory_space<hbm>> -> memref<10000x128xf32, #tpu.memory_space<hbm>>
      tpu.wait_indirect_dma semaphore(%arg12 : memref<!tpu.dma_semaphore, #tpu.memory_space<semaphore_mem>>) src(%dma_wait3A_41 : memref<10000x128xf32, #tpu.memory_space<hbm>>) dst(%arg9 : memref<128x128xf32, #tpu.memory_space<vmem>>)
      %add3A_42 = arith.constant 1 : i32
      %add3A_43 = arith.addi %mul3A_36, %add3A_42 : i32
      %dma_start3A_44 = arith.constant 0 : i32
      %dma_start3A_45 = tpu.memref_slice %arg7[%add3A_43, %dma_start3A_44] : memref<40x128xi32, #tpu.memory_space<vmem>> -> memref<1x128xi32, #tpu.memory_space<vmem>>
      %dma_start3A_46 = tpu.memref_squeeze %dma_start3A_45 : memref<1x128xi32, #tpu.memory_space<vmem>> -> memref<128xi32, #tpu.memory_space<vmem>>
      %dma_start3A_47 = arith.constant 0 : i32
      %dma_start3A_48 = arith.constant 0 : i32
      %dma_start3A_49 = tpu.memref_slice %arg2[%dma_start3A_47, %dma_start3A_48] : memref<10000x128xf32, #tpu.memory_space<hbm>> -> memref<10000x128xf32, #tpu.memory_space<hbm>>
      tpu.enqueue_indirect_dma source(%dma_start3A_49 : memref<10000x128xf32, #tpu.memory_space<hbm>>) target(%arg10 : memref<128x128xf32, #tpu.memory_space<vmem>>) offsets(%dma_start3A_46 : memref<128xi32, #tpu.memory_space<vmem>>) semaphore(%arg12 : memref<!tpu.dma_semaphore, #tpu.memory_space<semaphore_mem>>)
      "tpu.region"() ({
        %run_scoped3A = tpu.sem_alloc : memref<!tpu.dma_semaphore, #tpu.memory_space<semaphore_mem>>
        %dma_start3A_64 = arith.constant 0 : i32
        %dma_start3A_65 = tpu.memref_slice %arg8[%mul3A_36, %dma_start3A_64] : memref<40x128xi32, #tpu.memory_space<vmem>> -> memref<1x128xi32, #tpu.memory_space<vmem>>
        %dma_start3A_66 = tpu.memref_squeeze %dma_start3A_65 : memref<1x128xi32, #tpu.memory_space<vmem>> -> memref<128xi32, #tpu.memory_space<vmem>>
        %dma_start3A_67 = arith.constant 0 : i32
        %dma_start3A_68 = arith.constant 0 : i32
        %dma_start3A_69 = tpu.memref_slice %arg11[%dma_start3A_67, %dma_start3A_68] : memref<10240x128xf32, #tpu.memory_space<vmem_shared>> -> memref<10240x128xf32, #tpu.memory_space<vmem_shared>>
        tpu.enqueue_indirect_dma source(%arg9 : memref<128x128xf32, #tpu.memory_space<vmem>>) target(%dma_start3A_69 : memref<10240x128xf32, #tpu.memory_space<vmem_shared>>) offsets(%dma_start3A_66 : memref<128xi32, #tpu.memory_space<vmem>>) semaphore(%run_scoped3A : memref<!tpu.dma_semaphore, #tpu.memory_space<semaphore_mem>>) {add = true}
        %dma_wait3A_70 = arith.constant 0 : i32
        %dma_wait3A_71 = tpu.memref_slice %arg8[%mul3A_36, %dma_wait3A_70] : memref<40x128xi32, #tpu.memory_space<vmem>> -> memref<1x128xi32, #tpu.memory_space<vmem>>
        %dma_wait3A_72 = tpu.memref_squeeze %dma_wait3A_71 : memref<1x128xi32, #tpu.memory_space<vmem>> -> memref<128xi32, #tpu.memory_space<vmem>>
        %dma_wait3A_73 = arith.constant 0 : i32
        %dma_wait3A_74 = arith.constant 0 : i32
        %dma_wait3A_75 = tpu.memref_slice %arg11[%dma_wait3A_73, %dma_wait3A_74] : memref<10240x128xf32, #tpu.memory_space<vmem_shared>> -> memref<10240x128xf32, #tpu.memory_space<vmem_shared>>
        tpu.wait_indirect_dma semaphore(%run_scoped3A : memref<!tpu.dma_semaphore, #tpu.memory_space<semaphore_mem>>) src(%arg9 : memref<128x128xf32, #tpu.memory_space<vmem>>) dst(%dma_wait3A_75 : memref<10240x128xf32, #tpu.memory_space<vmem_shared>>)
        tpu.yield
      }) : () -> ()
      %add3A_50 = arith.constant 1 : i32
      %add3A_51 = arith.addi %mul3A_36, %add3A_50 : i32
      %dma_wait3A_52 = arith.constant 0 : i32
      %dma_wait3A_53 = tpu.memref_slice %arg7[%add3A_51, %dma_wait3A_52] : memref<40x128xi32, #tpu.memory_space<vmem>> -> memref<1x128xi32, #tpu.memory_space<vmem>>
      %dma_wait3A_54 = tpu.memref_squeeze %dma_wait3A_53 : memref<1x128xi32, #tpu.memory_space<vmem>> -> memref<128xi32, #tpu.memory_space<vmem>>
      %dma_wait3A_55 = arith.constant 0 : i32
      %dma_wait3A_56 = arith.constant 0 : i32
      %dma_wait3A_57 = tpu.memref_slice %arg2[%dma_wait3A_55, %dma_wait3A_56] : memref<10000x128xf32, #tpu.memory_space<hbm>> -> memref<10000x128xf32, #tpu.memory_space<hbm>>
      tpu.wait_indirect_dma semaphore(%arg12 : memref<!tpu.dma_semaphore, #tpu.memory_space<semaphore_mem>>) src(%dma_wait3A_57 : memref<10000x128xf32, #tpu.memory_space<hbm>>) dst(%arg10 : memref<128x128xf32, #tpu.memory_space<vmem>>)
      %add3A_58 = arith.constant 2 : i32
      %add3A_59 = arith.addi %mul3A_36, %add3A_58 : i32
      %lt3A = arith.constant 40 : i32
      %lt3A_60 = arith.cmpi slt, %add3A_59, %lt3A : i32
      %convert_element_type3A = arith.extui %lt3A_60 : i1 to i32
      %cond3A = arith.constant 0 : i32
      %cond3A_61 = arith.cmpi ne, %convert_element_type3A, %cond3A : i32
      scf.if %cond3A_61 {
        %add3A_64 = arith.constant 2 : i32
        %add3A_65 = arith.addi %mul3A_36, %add3A_64 : i32
        %dma_start3A_66 = arith.constant 0 : i32
        %dma_start3A_67 = tpu.memref_slice %arg7[%add3A_65, %dma_start3A_66] : memref<40x128xi32, #tpu.memory_space<vmem>> -> memref<1x128xi32, #tpu.memory_space<vmem>>
        %dma_start3A_68 = tpu.memref_squeeze %dma_start3A_67 : memref<1x128xi32, #tpu.memory_space<vmem>> -> memref<128xi32, #tpu.memory_space<vmem>>
        %dma_start3A_69 = arith.constant 0 : i32
        %dma_start3A_70 = arith.constant 0 : i32
        %dma_start3A_71 = tpu.memref_slice %arg2[%dma_start3A_69, %dma_start3A_70] : memref<10000x128xf32, #tpu.memory_space<hbm>> -> memref<10000x128xf32, #tpu.memory_space<hbm>>
        tpu.enqueue_indirect_dma source(%dma_start3A_71 : memref<10000x128xf32, #tpu.memory_space<hbm>>) target(%arg9 : memref<128x128xf32, #tpu.memory_space<vmem>>) offsets(%dma_start3A_68 : memref<128xi32, #tpu.memory_space<vmem>>) semaphore(%arg12 : memref<!tpu.dma_semaphore, #tpu.memory_space<semaphore_mem>>)
      } else {
      }
      %add3A_62 = arith.constant 1 : i32
      %add3A_63 = arith.addi %mul3A_36, %add3A_62 : i32
      "tpu.region"() ({
        %run_scoped3A = tpu.sem_alloc : memref<!tpu.dma_semaphore, #tpu.memory_space<semaphore_mem>>
        %dma_start3A_64 = arith.constant 0 : i32
        %dma_start3A_65 = tpu.memref_slice %arg8[%add3A_63, %dma_start3A_64] : memref<40x128xi32, #tpu.memory_space<vmem>> -> memref<1x128xi32, #tpu.memory_space<vmem>>
        %dma_start3A_66 = tpu.memref_squeeze %dma_start3A_65 : memref<1x128xi32, #tpu.memory_space<vmem>> -> memref<128xi32, #tpu.memory_space<vmem>>
        %dma_start3A_67 = arith.constant 0 : i32
        %dma_start3A_68 = arith.constant 0 : i32
        %dma_start3A_69 = tpu.memref_slice %arg11[%dma_start3A_67, %dma_start3A_68] : memref<10240x128xf32, #tpu.memory_space<vmem_shared>> -> memref<10240x128xf32, #tpu.memory_space<vmem_shared>>
        tpu.enqueue_indirect_dma source(%arg10 : memref<128x128xf32, #tpu.memory_space<vmem>>) target(%dma_start3A_69 : memref<10240x128xf32, #tpu.memory_space<vmem_shared>>) offsets(%dma_start3A_66 : memref<128xi32, #tpu.memory_space<vmem>>) semaphore(%run_scoped3A : memref<!tpu.dma_semaphore, #tpu.memory_space<semaphore_mem>>) {add = true}
        %dma_wait3A_70 = arith.constant 0 : i32
        %dma_wait3A_71 = tpu.memref_slice %arg8[%add3A_63, %dma_wait3A_70] : memref<40x128xi32, #tpu.memory_space<vmem>> -> memref<1x128xi32, #tpu.memory_space<vmem>>
        %dma_wait3A_72 = tpu.memref_squeeze %dma_wait3A_71 : memref<1x128xi32, #tpu.memory_space<vmem>> -> memref<128xi32, #tpu.memory_space<vmem>>
        %dma_wait3A_73 = arith.constant 0 : i32
        %dma_wait3A_74 = arith.constant 0 : i32
        %dma_wait3A_75 = tpu.memref_slice %arg11[%dma_wait3A_73, %dma_wait3A_74] : memref<10240x128xf32, #tpu.memory_space<vmem_shared>> -> memref<10240x128xf32, #tpu.memory_space<vmem_shared>>
        tpu.wait_indirect_dma semaphore(%run_scoped3A : memref<!tpu.dma_semaphore, #tpu.memory_space<semaphore_mem>>) src(%arg10 : memref<128x128xf32, #tpu.memory_space<vmem>>) dst(%dma_wait3A_75 : memref<10240x128xf32, #tpu.memory_space<vmem_shared>>)
        tpu.yield
      }) : () -> ()
    }
    %scan3A_28 = arith.constant 20 : i32
    %barrier3A_29 = arith.constant 0 : index
    tpu.barrier barrier_id(%barrier3A_29)
    %mul3A_30 = arith.constant 640 : i32
    %mul3A_31 = arith.muli %arg1, %mul3A_30 : i32
    %mul3A_32 = arith.constant 640 : i32
    %mul3A_33 = arith.muli %arg1, %mul3A_32 : i32
    "tpu.region"() ({
      %run_scoped3A = tpu.sem_alloc : memref<!tpu.dma_semaphore, #tpu.memory_space<semaphore_mem>>
      %dma_start3A_34 = arith.constant 0 : i32
      %dma_start3A_35 = tpu.memref_slice %arg6[%arg0, %mul3A_33, %dma_start3A_34] : memref<2x10240x128xf32, #tpu.memory_space<hbm>> -> memref<1x640x128xf32, #tpu.memory_space<hbm>>
      %dma_start3A_36 = tpu.memref_squeeze %dma_start3A_35 : memref<1x640x128xf32, #tpu.memory_space<hbm>> -> memref<640x128xf32, #tpu.memory_space<hbm>>
      %dma_start3A_37 = arith.constant 0 : i32
      %dma_start3A_38 = tpu.memref_slice %arg11[%mul3A_31, %dma_start3A_37] : memref<10240x128xf32, #tpu.memory_space<vmem_shared>> -> memref<640x128xf32, #tpu.memory_space<vmem_shared>>
      tpu.enqueue_dma source(%dma_start3A_38 : memref<640x128xf32, #tpu.memory_space<vmem_shared>>) target(%dma_start3A_36 : memref<640x128xf32, #tpu.memory_space<hbm>>) target_semaphore(%run_scoped3A : memref<!tpu.dma_semaphore, #tpu.memory_space<semaphore_mem>>)
      %dma_wait3A = arith.constant 0 : i32
      %dma_wait3A_39 = tpu.memref_slice %arg6[%arg0, %mul3A_33, %dma_wait3A] : memref<2x10240x128xf32, #tpu.memory_space<hbm>> -> memref<1x640x128xf32, #tpu.memory_space<hbm>>
      %dma_wait3A_40 = tpu.memref_squeeze %dma_wait3A_39 : memref<1x640x128xf32, #tpu.memory_space<hbm>> -> memref<640x128xf32, #tpu.memory_space<hbm>>
      %dma_wait3A_41 = arith.constant 0 : i32
      %dma_wait3A_42 = tpu.memref_slice %arg11[%mul3A_31, %dma_wait3A_41] : memref<10240x128xf32, #tpu.memory_space<vmem_shared>> -> memref<640x128xf32, #tpu.memory_space<vmem_shared>>
      tpu.wait_dma2 semaphore(%run_scoped3A : memref<!tpu.dma_semaphore, #tpu.memory_space<semaphore_mem>>) src(%dma_wait3A_42 : memref<640x128xf32, #tpu.memory_space<vmem_shared>>) dst(%dma_wait3A_40 : memref<640x128xf32, #tpu.memory_space<hbm>>)
      tpu.yield
    }) : () -> ()
    return
  }
}

#map = affine_map<(d0, d1) -> (0, 0)>
#map1 = affine_map<(d0, d1) -> (0, 0, 0)>
module attributes {stable_mosaic.version = 14 : i64} {
  func.func @_agg_kernel(%arg0: i32, %arg1: i32, %arg2: memref<10000x128xf32, #tpu.memory_space<hbm>>, %arg3: memref<32x80x128xi32, #tpu.memory_space<hbm>>, %arg4: memref<32x80x128xi32, #tpu.memory_space<hbm>>, %arg5: memref<10240x128xf32, #tpu.memory_space<hbm>>, %arg6: memref<2x10240x128xf32, #tpu.memory_space<hbm>>, %arg7: memref<40x128xi32, #tpu.memory_space<vmem>>, %arg8: memref<40x128xi32, #tpu.memory_space<vmem>>, %arg9: memref<128x128xf32, #tpu.memory_space<vmem>>, %arg10: memref<128x128xf32, #tpu.memory_space<vmem>>, %arg11: memref<10240x128xf32, #tpu.memory_space<vmem_shared>>, %arg12: memref<!tpu.dma_semaphore, #tpu.memory_space<semaphore_mem>>) attributes {dimension_semantics = [#tpu.dimension_semantics<core_parallel>, #tpu.dimension_semantics<subcore_parallel>], iteration_bounds = array<i64: 2, 16>, scalar_prefetch = 0 : i64, scratch_operands = 6 : i64, tpu.core_type = #tpu.core_type<sc_vector_subcore>, window_params = [{transform_indices = #map}, {transform_indices = #map1}, {transform_indices = #map1}, {transform_indices = #map}, {transform_indices = #map1}]} {
    %mul3A = arith.constant 16 : i32
    %mul3A_0 = arith.muli %arg0, %mul3A : i32
    %add3A = arith.addi %mul3A_0, %arg1 : i32
    %mul3A_1 = arith.constant 640 : i32
    %mul3A_2 = arith.muli %arg1, %mul3A_1 : i32
    %mul3A_3 = arith.constant 640 : i32
    %mul3A_4 = arith.muli %arg1, %mul3A_3 : i32
    "tpu.region"() ({
      %run_scoped3A = tpu.sem_alloc : memref<!tpu.dma_semaphore, #tpu.memory_space<semaphore_mem>>
      %dma_start3A_34 = arith.constant 0 : i32
      %dma_start3A_35 = tpu.memref_slice %arg11[%mul3A_4, %dma_start3A_34] : memref<10240x128xf32, #tpu.memory_space<vmem_shared>> -> memref<640x128xf32, #tpu.memory_space<vmem_shared>>
      %dma_start3A_36 = arith.constant 0 : i32
      %dma_start3A_37 = tpu.memref_slice %arg5[%mul3A_2, %dma_start3A_36] : memref<10240x128xf32, #tpu.memory_space<hbm>> -> memref<640x128xf32, #tpu.memory_space<hbm>>
      tpu.enqueue_dma source(%dma_start3A_37 : memref<640x128xf32, #tpu.memory_space<hbm>>) target(%dma_start3A_35 : memref<640x128xf32, #tpu.memory_space<vmem_shared>>) target_semaphore(%run_scoped3A : memref<!tpu.dma_semaphore, #tpu.memory_space<semaphore_mem>>)
      %dma_wait3A = arith.constant 0 : i32
      %dma_wait3A_38 = tpu.memref_slice %arg11[%mul3A_4, %dma_wait3A] : memref<10240x128xf32, #tpu.memory_space<vmem_shared>> -> memref<640x128xf32, #tpu.memory_space<vmem_shared>>
      %dma_wait3A_39 = arith.constant 0 : i32
      %dma_wait3A_40 = tpu.memref_slice %arg5[%mul3A_2, %dma_wait3A_39] : memref<10240x128xf32, #tpu.memory_space<hbm>> -> memref<640x128xf32, #tpu.memory_space<hbm>>
      tpu.wait_dma2 semaphore(%run_scoped3A : memref<!tpu.dma_semaphore, #tpu.memory_space<semaphore_mem>>) src(%dma_wait3A_40 : memref<640x128xf32, #tpu.memory_space<hbm>>) dst(%dma_wait3A_38 : memref<640x128xf32, #tpu.memory_space<vmem_shared>>)
      tpu.yield
    }) : () -> ()
    %barrier3A = arith.constant 0 : index
    tpu.barrier barrier_id(%barrier3A)
    "tpu.region"() ({
      %run_scoped3A = tpu.sem_alloc : memref<!tpu.dma_semaphore, #tpu.memory_space<semaphore_mem>>
      %dma_start3A_34 = arith.constant 0 : i32
      %dma_start3A_35 = arith.constant 0 : i32
      %dma_start3A_36 = tpu.memref_slice %arg3[%add3A, %dma_start3A_34, %dma_start3A_35] : memref<32x80x128xi32, #tpu.memory_space<hbm>> -> memref<1x40x128xi32, #tpu.memory_space<hbm>>
      %dma_start3A_37 = tpu.memref_squeeze %dma_start3A_36 : memref<1x40x128xi32, #tpu.memory_space<hbm>> -> memref<40x128xi32, #tpu.memory_space<hbm>>
      %dma_start3A_38 = arith.constant 0 : i32
      %dma_start3A_39 = arith.constant 0 : i32
      %dma_start3A_40 = tpu.memref_slice %arg3[%add3A, %dma_start3A_38, %dma_start3A_39] : memref<32x80x128xi32, #tpu.memory_space<hbm>> -> memref<1x40x128xi32, #tpu.memory_space<hbm>>
      %dma_start3A_41 = tpu.memref_squeeze %dma_start3A_40 : memref<1x40x128xi32, #tpu.memory_space<hbm>> -> memref<40x128xi32, #tpu.memory_space<hbm>>
      tpu.enqueue_dma source(%dma_start3A_41 : memref<40x128xi32, #tpu.memory_space<hbm>>) target(%arg7 : memref<40x128xi32, #tpu.memory_space<vmem>>) target_semaphore(%run_scoped3A : memref<!tpu.dma_semaphore, #tpu.memory_space<semaphore_mem>>)
      %dma_wait3A = arith.constant 0 : i32
      %dma_wait3A_42 = arith.constant 0 : i32
      %dma_wait3A_43 = tpu.memref_slice %arg3[%add3A, %dma_wait3A, %dma_wait3A_42] : memref<32x80x128xi32, #tpu.memory_space<hbm>> -> memref<1x40x128xi32, #tpu.memory_space<hbm>>
      %dma_wait3A_44 = tpu.memref_squeeze %dma_wait3A_43 : memref<1x40x128xi32, #tpu.memory_space<hbm>> -> memref<40x128xi32, #tpu.memory_space<hbm>>
      %dma_wait3A_45 = arith.constant 0 : i32
      %dma_wait3A_46 = arith.constant 0 : i32
      %dma_wait3A_47 = tpu.memref_slice %arg3[%add3A, %dma_wait3A_45, %dma_wait3A_46] : memref<32x80x128xi32, #tpu.memory_space<hbm>> -> memref<1x40x128xi32, #tpu.memory_space<hbm>>
      %dma_wait3A_48 = tpu.memref_squeeze %dma_wait3A_47 : memref<1x40x128xi32, #tpu.memory_space<hbm>> -> memref<40x128xi32, #tpu.memory_space<hbm>>
      tpu.wait_dma2 semaphore(%run_scoped3A : memref<!tpu.dma_semaphore, #tpu.memory_space<semaphore_mem>>) src(%dma_wait3A_48 : memref<40x128xi32, #tpu.memory_space<hbm>>) dst(%arg7 : memref<40x128xi32, #tpu.memory_space<vmem>>)
      tpu.yield
    }) : () -> ()
    "tpu.region"() ({
      %run_scoped3A = tpu.sem_alloc : memref<!tpu.dma_semaphore, #tpu.memory_space<semaphore_mem>>
      %dma_start3A_34 = arith.constant 0 : i32
      %dma_start3A_35 = arith.constant 0 : i32
      %dma_start3A_36 = tpu.memref_slice %arg4[%add3A, %dma_start3A_34, %dma_start3A_35] : memref<32x80x128xi32, #tpu.memory_space<hbm>> -> memref<1x40x128xi32, #tpu.memory_space<hbm>>
      %dma_start3A_37 = tpu.memref_squeeze %dma_start3A_36 : memref<1x40x128xi32, #tpu.memory_space<hbm>> -> memref<40x128xi32, #tpu.memory_space<hbm>>
      %dma_start3A_38 = arith.constant 0 : i32
      %dma_start3A_39 = arith.constant 0 : i32
      %dma_start3A_40 = tpu.memref_slice %arg4[%add3A, %dma_start3A_38, %dma_start3A_39] : memref<32x80x128xi32, #tpu.memory_space<hbm>> -> memref<1x40x128xi32, #tpu.memory_space<hbm>>
      %dma_start3A_41 = tpu.memref_squeeze %dma_start3A_40 : memref<1x40x128xi32, #tpu.memory_space<hbm>> -> memref<40x128xi32, #tpu.memory_space<hbm>>
      tpu.enqueue_dma source(%dma_start3A_41 : memref<40x128xi32, #tpu.memory_space<hbm>>) target(%arg8 : memref<40x128xi32, #tpu.memory_space<vmem>>) target_semaphore(%run_scoped3A : memref<!tpu.dma_semaphore, #tpu.memory_space<semaphore_mem>>)
      %dma_wait3A = arith.constant 0 : i32
      %dma_wait3A_42 = arith.constant 0 : i32
      %dma_wait3A_43 = tpu.memref_slice %arg4[%add3A, %dma_wait3A, %dma_wait3A_42] : memref<32x80x128xi32, #tpu.memory_space<hbm>> -> memref<1x40x128xi32, #tpu.memory_space<hbm>>
      %dma_wait3A_44 = tpu.memref_squeeze %dma_wait3A_43 : memref<1x40x128xi32, #tpu.memory_space<hbm>> -> memref<40x128xi32, #tpu.memory_space<hbm>>
      %dma_wait3A_45 = arith.constant 0 : i32
      %dma_wait3A_46 = arith.constant 0 : i32
      %dma_wait3A_47 = tpu.memref_slice %arg4[%add3A, %dma_wait3A_45, %dma_wait3A_46] : memref<32x80x128xi32, #tpu.memory_space<hbm>> -> memref<1x40x128xi32, #tpu.memory_space<hbm>>
      %dma_wait3A_48 = tpu.memref_squeeze %dma_wait3A_47 : memref<1x40x128xi32, #tpu.memory_space<hbm>> -> memref<40x128xi32, #tpu.memory_space<hbm>>
      tpu.wait_dma2 semaphore(%run_scoped3A : memref<!tpu.dma_semaphore, #tpu.memory_space<semaphore_mem>>) src(%dma_wait3A_48 : memref<40x128xi32, #tpu.memory_space<hbm>>) dst(%arg8 : memref<40x128xi32, #tpu.memory_space<vmem>>)
      tpu.yield
    }) : () -> ()
    %dma_start3A = arith.constant 0 : i32
    %dma_start3A_5 = arith.constant 0 : i32
    %dma_start3A_6 = tpu.memref_slice %arg7[%dma_start3A, %dma_start3A_5] : memref<40x128xi32, #tpu.memory_space<vmem>> -> memref<1x128xi32, #tpu.memory_space<vmem>>
    %dma_start3A_7 = tpu.memref_squeeze %dma_start3A_6 : memref<1x128xi32, #tpu.memory_space<vmem>> -> memref<128xi32, #tpu.memory_space<vmem>>
    %dma_start3A_8 = arith.constant 0 : i32
    %dma_start3A_9 = arith.constant 0 : i32
    %dma_start3A_10 = tpu.memref_slice %arg2[%dma_start3A_8, %dma_start3A_9] : memref<10000x128xf32, #tpu.memory_space<hbm>> -> memref<10000x128xf32, #tpu.memory_space<hbm>>
    tpu.enqueue_indirect_dma source(%dma_start3A_10 : memref<10000x128xf32, #tpu.memory_space<hbm>>) target(%arg9 : memref<128x128xf32, #tpu.memory_space<vmem>>) offsets(%dma_start3A_7 : memref<128xi32, #tpu.memory_space<vmem>>) semaphore(%arg12 : memref<!tpu.dma_semaphore, #tpu.memory_space<semaphore_mem>>)
    %scan3A = arith.constant 0 : i32
    %scan3A_11 = arith.constant 0 : i32
    %scan3A_12 = arith.constant 20 : i32
    %scan3A_13 = arith.addi %scan3A_11, %scan3A_12 : i32
    %scan3A_14 = arith.constant 1 : i32
    scf.for %scan3A_34 = %scan3A_11 to %scan3A_13 step %scan3A_14  : i32 {
      %mul3A_35 = arith.constant 2 : i32
      %mul3A_36 = arith.muli %mul3A_35, %scan3A_34 : i32
      %dma_wait3A = arith.constant 0 : i32
      %dma_wait3A_37 = tpu.memref_slice %arg7[%mul3A_36, %dma_wait3A] : memref<40x128xi32, #tpu.memory_space<vmem>> -> memref<1x128xi32, #tpu.memory_space<vmem>>
      %dma_wait3A_38 = tpu.memref_squeeze %dma_wait3A_37 : memref<1x128xi32, #tpu.memory_space<vmem>> -> memref<128xi32, #tpu.memory_space<vmem>>
      %dma_wait3A_39 = arith.constant 0 : i32
      %dma_wait3A_40 = arith.constant 0 : i32
      %dma_wait3A_41 = tpu.memref_slice %arg2[%dma_wait3A_39, %dma_wait3A_40] : memref<10000x128xf32, #tpu.memory_space<hbm>> -> memref<10000x128xf32, #tpu.memory_space<hbm>>
      tpu.wait_indirect_dma semaphore(%arg12 : memref<!tpu.dma_semaphore, #tpu.memory_space<semaphore_mem>>) src(%dma_wait3A_41 : memref<10000x128xf32, #tpu.memory_space<hbm>>) dst(%arg9 : memref<128x128xf32, #tpu.memory_space<vmem>>)
      %add3A_42 = arith.constant 1 : i32
      %add3A_43 = arith.addi %mul3A_36, %add3A_42 : i32
      %dma_start3A_44 = arith.constant 0 : i32
      %dma_start3A_45 = tpu.memref_slice %arg7[%add3A_43, %dma_start3A_44] : memref<40x128xi32, #tpu.memory_space<vmem>> -> memref<1x128xi32, #tpu.memory_space<vmem>>
      %dma_start3A_46 = tpu.memref_squeeze %dma_start3A_45 : memref<1x128xi32, #tpu.memory_space<vmem>> -> memref<128xi32, #tpu.memory_space<vmem>>
      %dma_start3A_47 = arith.constant 0 : i32
      %dma_start3A_48 = arith.constant 0 : i32
      %dma_start3A_49 = tpu.memref_slice %arg2[%dma_start3A_47, %dma_start3A_48] : memref<10000x128xf32, #tpu.memory_space<hbm>> -> memref<10000x128xf32, #tpu.memory_space<hbm>>
      tpu.enqueue_indirect_dma source(%dma_start3A_49 : memref<10000x128xf32, #tpu.memory_space<hbm>>) target(%arg10 : memref<128x128xf32, #tpu.memory_space<vmem>>) offsets(%dma_start3A_46 : memref<128xi32, #tpu.memory_space<vmem>>) semaphore(%arg12 : memref<!tpu.dma_semaphore, #tpu.memory_space<semaphore_mem>>)
      "tpu.region"() ({
        %run_scoped3A = tpu.sem_alloc : memref<!tpu.dma_semaphore, #tpu.memory_space<semaphore_mem>>
        %dma_start3A_64 = arith.constant 0 : i32
        %dma_start3A_65 = tpu.memref_slice %arg8[%mul3A_36, %dma_start3A_64] : memref<40x128xi32, #tpu.memory_space<vmem>> -> memref<1x128xi32, #tpu.memory_space<vmem>>
        %dma_start3A_66 = tpu.memref_squeeze %dma_start3A_65 : memref<1x128xi32, #tpu.memory_space<vmem>> -> memref<128xi32, #tpu.memory_space<vmem>>
        %dma_start3A_67 = arith.constant 0 : i32
        %dma_start3A_68 = arith.constant 0 : i32
        %dma_start3A_69 = tpu.memref_slice %arg11[%dma_start3A_67, %dma_start3A_68] : memref<10240x128xf32, #tpu.memory_space<vmem_shared>> -> memref<10240x128xf32, #tpu.memory_space<vmem_shared>>
        tpu.enqueue_indirect_dma source(%arg9 : memref<128x128xf32, #tpu.memory_space<vmem>>) target(%dma_start3A_69 : memref<10240x128xf32, #tpu.memory_space<vmem_shared>>) offsets(%dma_start3A_66 : memref<128xi32, #tpu.memory_space<vmem>>) semaphore(%run_scoped3A : memref<!tpu.dma_semaphore, #tpu.memory_space<semaphore_mem>>) {add = true}
        %dma_wait3A_70 = arith.constant 0 : i32
        %dma_wait3A_71 = tpu.memref_slice %arg8[%mul3A_36, %dma_wait3A_70] : memref<40x128xi32, #tpu.memory_space<vmem>> -> memref<1x128xi32, #tpu.memory_space<vmem>>
        %dma_wait3A_72 = tpu.memref_squeeze %dma_wait3A_71 : memref<1x128xi32, #tpu.memory_space<vmem>> -> memref<128xi32, #tpu.memory_space<vmem>>
        %dma_wait3A_73 = arith.constant 0 : i32
        %dma_wait3A_74 = arith.constant 0 : i32
        %dma_wait3A_75 = tpu.memref_slice %arg11[%dma_wait3A_73, %dma_wait3A_74] : memref<10240x128xf32, #tpu.memory_space<vmem_shared>> -> memref<10240x128xf32, #tpu.memory_space<vmem_shared>>
        tpu.wait_indirect_dma semaphore(%run_scoped3A : memref<!tpu.dma_semaphore, #tpu.memory_space<semaphore_mem>>) src(%arg9 : memref<128x128xf32, #tpu.memory_space<vmem>>) dst(%dma_wait3A_75 : memref<10240x128xf32, #tpu.memory_space<vmem_shared>>)
        tpu.yield
      }) : () -> ()
      %add3A_50 = arith.constant 1 : i32
      %add3A_51 = arith.addi %mul3A_36, %add3A_50 : i32
      %dma_wait3A_52 = arith.constant 0 : i32
      %dma_wait3A_53 = tpu.memref_slice %arg7[%add3A_51, %dma_wait3A_52] : memref<40x128xi32, #tpu.memory_space<vmem>> -> memref<1x128xi32, #tpu.memory_space<vmem>>
      %dma_wait3A_54 = tpu.memref_squeeze %dma_wait3A_53 : memref<1x128xi32, #tpu.memory_space<vmem>> -> memref<128xi32, #tpu.memory_space<vmem>>
      %dma_wait3A_55 = arith.constant 0 : i32
      %dma_wait3A_56 = arith.constant 0 : i32
      %dma_wait3A_57 = tpu.memref_slice %arg2[%dma_wait3A_55, %dma_wait3A_56] : memref<10000x128xf32, #tpu.memory_space<hbm>> -> memref<10000x128xf32, #tpu.memory_space<hbm>>
      tpu.wait_indirect_dma semaphore(%arg12 : memref<!tpu.dma_semaphore, #tpu.memory_space<semaphore_mem>>) src(%dma_wait3A_57 : memref<10000x128xf32, #tpu.memory_space<hbm>>) dst(%arg10 : memref<128x128xf32, #tpu.memory_space<vmem>>)
      %add3A_58 = arith.constant 2 : i32
      %add3A_59 = arith.addi %mul3A_36, %add3A_58 : i32
      %lt3A = arith.constant 40 : i32
      %lt3A_60 = arith.cmpi slt, %add3A_59, %lt3A : i32
      %convert_element_type3A = arith.extui %lt3A_60 : i1 to i32
      %cond3A = arith.constant 0 : i32
      %cond3A_61 = arith.cmpi ne, %convert_element_type3A, %cond3A : i32
      scf.if %cond3A_61 {
        %add3A_64 = arith.constant 2 : i32
        %add3A_65 = arith.addi %mul3A_36, %add3A_64 : i32
        %dma_start3A_66 = arith.constant 0 : i32
        %dma_start3A_67 = tpu.memref_slice %arg7[%add3A_65, %dma_start3A_66] : memref<40x128xi32, #tpu.memory_space<vmem>> -> memref<1x128xi32, #tpu.memory_space<vmem>>
        %dma_start3A_68 = tpu.memref_squeeze %dma_start3A_67 : memref<1x128xi32, #tpu.memory_space<vmem>> -> memref<128xi32, #tpu.memory_space<vmem>>
        %dma_start3A_69 = arith.constant 0 : i32
        %dma_start3A_70 = arith.constant 0 : i32
        %dma_start3A_71 = tpu.memref_slice %arg2[%dma_start3A_69, %dma_start3A_70] : memref<10000x128xf32, #tpu.memory_space<hbm>> -> memref<10000x128xf32, #tpu.memory_space<hbm>>
        tpu.enqueue_indirect_dma source(%dma_start3A_71 : memref<10000x128xf32, #tpu.memory_space<hbm>>) target(%arg9 : memref<128x128xf32, #tpu.memory_space<vmem>>) offsets(%dma_start3A_68 : memref<128xi32, #tpu.memory_space<vmem>>) semaphore(%arg12 : memref<!tpu.dma_semaphore, #tpu.memory_space<semaphore_mem>>)
      } else {
      }
      %add3A_62 = arith.constant 1 : i32
      %add3A_63 = arith.addi %mul3A_36, %add3A_62 : i32
      "tpu.region"() ({
        %run_scoped3A = tpu.sem_alloc : memref<!tpu.dma_semaphore, #tpu.memory_space<semaphore_mem>>
        %dma_start3A_64 = arith.constant 0 : i32
        %dma_start3A_65 = tpu.memref_slice %arg8[%add3A_63, %dma_start3A_64] : memref<40x128xi32, #tpu.memory_space<vmem>> -> memref<1x128xi32, #tpu.memory_space<vmem>>
        %dma_start3A_66 = tpu.memref_squeeze %dma_start3A_65 : memref<1x128xi32, #tpu.memory_space<vmem>> -> memref<128xi32, #tpu.memory_space<vmem>>
        %dma_start3A_67 = arith.constant 0 : i32
        %dma_start3A_68 = arith.constant 0 : i32
        %dma_start3A_69 = tpu.memref_slice %arg11[%dma_start3A_67, %dma_start3A_68] : memref<10240x128xf32, #tpu.memory_space<vmem_shared>> -> memref<10240x128xf32, #tpu.memory_space<vmem_shared>>
        tpu.enqueue_indirect_dma source(%arg10 : memref<128x128xf32, #tpu.memory_space<vmem>>) target(%dma_start3A_69 : memref<10240x128xf32, #tpu.memory_space<vmem_shared>>) offsets(%dma_start3A_66 : memref<128xi32, #tpu.memory_space<vmem>>) semaphore(%run_scoped3A : memref<!tpu.dma_semaphore, #tpu.memory_space<semaphore_mem>>) {add = true}
        %dma_wait3A_70 = arith.constant 0 : i32
        %dma_wait3A_71 = tpu.memref_slice %arg8[%add3A_63, %dma_wait3A_70] : memref<40x128xi32, #tpu.memory_space<vmem>> -> memref<1x128xi32, #tpu.memory_space<vmem>>
        %dma_wait3A_72 = tpu.memref_squeeze %dma_wait3A_71 : memref<1x128xi32, #tpu.memory_space<vmem>> -> memref<128xi32, #tpu.memory_space<vmem>>
        %dma_wait3A_73 = arith.constant 0 : i32
        %dma_wait3A_74 = arith.constant 0 : i32
        %dma_wait3A_75 = tpu.memref_slice %arg11[%dma_wait3A_73, %dma_wait3A_74] : memref<10240x128xf32, #tpu.memory_space<vmem_shared>> -> memref<10240x128xf32, #tpu.memory_space<vmem_shared>>
        tpu.wait_indirect_dma semaphore(%run_scoped3A : memref<!tpu.dma_semaphore, #tpu.memory_space<semaphore_mem>>) src(%arg10 : memref<128x128xf32, #tpu.memory_space<vmem>>) dst(%dma_wait3A_75 : memref<10240x128xf32, #tpu.memory_space<vmem_shared>>)
        tpu.yield
      }) : () -> ()
    }
    %scan3A_15 = arith.constant 20 : i32
    "tpu.region"() ({
      %run_scoped3A = tpu.sem_alloc : memref<!tpu.dma_semaphore, #tpu.memory_space<semaphore_mem>>
      %dma_start3A_34 = arith.constant 40 : i32
      %dma_start3A_35 = arith.constant 0 : i32
      %dma_start3A_36 = tpu.memref_slice %arg3[%add3A, %dma_start3A_34, %dma_start3A_35] : memref<32x80x128xi32, #tpu.memory_space<hbm>> -> memref<1x40x128xi32, #tpu.memory_space<hbm>>
      %dma_start3A_37 = tpu.memref_squeeze %dma_start3A_36 : memref<1x40x128xi32, #tpu.memory_space<hbm>> -> memref<40x128xi32, #tpu.memory_space<hbm>>
      %dma_start3A_38 = arith.constant 40 : i32
      %dma_start3A_39 = arith.constant 0 : i32
      %dma_start3A_40 = tpu.memref_slice %arg3[%add3A, %dma_start3A_38, %dma_start3A_39] : memref<32x80x128xi32, #tpu.memory_space<hbm>> -> memref<1x40x128xi32, #tpu.memory_space<hbm>>
      %dma_start3A_41 = tpu.memref_squeeze %dma_start3A_40 : memref<1x40x128xi32, #tpu.memory_space<hbm>> -> memref<40x128xi32, #tpu.memory_space<hbm>>
      tpu.enqueue_dma source(%dma_start3A_41 : memref<40x128xi32, #tpu.memory_space<hbm>>) target(%arg7 : memref<40x128xi32, #tpu.memory_space<vmem>>) target_semaphore(%run_scoped3A : memref<!tpu.dma_semaphore, #tpu.memory_space<semaphore_mem>>)
      %dma_wait3A = arith.constant 40 : i32
      %dma_wait3A_42 = arith.constant 0 : i32
      %dma_wait3A_43 = tpu.memref_slice %arg3[%add3A, %dma_wait3A, %dma_wait3A_42] : memref<32x80x128xi32, #tpu.memory_space<hbm>> -> memref<1x40x128xi32, #tpu.memory_space<hbm>>
      %dma_wait3A_44 = tpu.memref_squeeze %dma_wait3A_43 : memref<1x40x128xi32, #tpu.memory_space<hbm>> -> memref<40x128xi32, #tpu.memory_space<hbm>>
      %dma_wait3A_45 = arith.constant 40 : i32
      %dma_wait3A_46 = arith.constant 0 : i32
      %dma_wait3A_47 = tpu.memref_slice %arg3[%add3A, %dma_wait3A_45, %dma_wait3A_46] : memref<32x80x128xi32, #tpu.memory_space<hbm>> -> memref<1x40x128xi32, #tpu.memory_space<hbm>>
      %dma_wait3A_48 = tpu.memref_squeeze %dma_wait3A_47 : memref<1x40x128xi32, #tpu.memory_space<hbm>> -> memref<40x128xi32, #tpu.memory_space<hbm>>
      tpu.wait_dma2 semaphore(%run_scoped3A : memref<!tpu.dma_semaphore, #tpu.memory_space<semaphore_mem>>) src(%dma_wait3A_48 : memref<40x128xi32, #tpu.memory_space<hbm>>) dst(%arg7 : memref<40x128xi32, #tpu.memory_space<vmem>>)
      tpu.yield
    }) : () -> ()
    "tpu.region"() ({
      %run_scoped3A = tpu.sem_alloc : memref<!tpu.dma_semaphore, #tpu.memory_space<semaphore_mem>>
      %dma_start3A_34 = arith.constant 40 : i32
      %dma_start3A_35 = arith.constant 0 : i32
      %dma_start3A_36 = tpu.memref_slice %arg4[%add3A, %dma_start3A_34, %dma_start3A_35] : memref<32x80x128xi32, #tpu.memory_space<hbm>> -> memref<1x40x128xi32, #tpu.memory_space<hbm>>
      %dma_start3A_37 = tpu.memref_squeeze %dma_start3A_36 : memref<1x40x128xi32, #tpu.memory_space<hbm>> -> memref<40x128xi32, #tpu.memory_space<hbm>>
      %dma_start3A_38 = arith.constant 40 : i32
      %dma_start3A_39 = arith.constant 0 : i32
      %dma_start3A_40 = tpu.memref_slice %arg4[%add3A, %dma_start3A_38, %dma_start3A_39] : memref<32x80x128xi32, #tpu.memory_space<hbm>> -> memref<1x40x128xi32, #tpu.memory_space<hbm>>
      %dma_start3A_41 = tpu.memref_squeeze %dma_start3A_40 : memref<1x40x128xi32, #tpu.memory_space<hbm>> -> memref<40x128xi32, #tpu.memory_space<hbm>>
      tpu.enqueue_dma source(%dma_start3A_41 : memref<40x128xi32, #tpu.memory_space<hbm>>) target(%arg8 : memref<40x128xi32, #tpu.memory_space<vmem>>) target_semaphore(%run_scoped3A : memref<!tpu.dma_semaphore, #tpu.memory_space<semaphore_mem>>)
      %dma_wait3A = arith.constant 40 : i32
      %dma_wait3A_42 = arith.constant 0 : i32
      %dma_wait3A_43 = tpu.memref_slice %arg4[%add3A, %dma_wait3A, %dma_wait3A_42] : memref<32x80x128xi32, #tpu.memory_space<hbm>> -> memref<1x40x128xi32, #tpu.memory_space<hbm>>
      %dma_wait3A_44 = tpu.memref_squeeze %dma_wait3A_43 : memref<1x40x128xi32, #tpu.memory_space<hbm>> -> memref<40x128xi32, #tpu.memory_space<hbm>>
      %dma_wait3A_45 = arith.constant 40 : i32
      %dma_wait3A_46 = arith.constant 0 : i32
      %dma_wait3A_47 = tpu.memref_slice %arg4[%add3A, %dma_wait3A_45, %dma_wait3A_46] : memref<32x80x128xi32, #tpu.memory_space<hbm>> -> memref<1x40x128xi32, #tpu.memory_space<hbm>>
      %dma_wait3A_48 = tpu.memref_squeeze %dma_wait3A_47 : memref<1x40x128xi32, #tpu.memory_space<hbm>> -> memref<40x128xi32, #tpu.memory_space<hbm>>
      tpu.wait_dma2 semaphore(%run_scoped3A : memref<!tpu.dma_semaphore, #tpu.memory_space<semaphore_mem>>) src(%dma_wait3A_48 : memref<40x128xi32, #tpu.memory_space<hbm>>) dst(%arg8 : memref<40x128xi32, #tpu.memory_space<vmem>>)
      tpu.yield
    }) : () -> ()
    %dma_start3A_16 = arith.constant 0 : i32
    %dma_start3A_17 = arith.constant 0 : i32
    %dma_start3A_18 = tpu.memref_slice %arg7[%dma_start3A_16, %dma_start3A_17] : memref<40x128xi32, #tpu.memory_space<vmem>> -> memref<1x128xi32, #tpu.memory_space<vmem>>
    %dma_start3A_19 = tpu.memref_squeeze %dma_start3A_18 : memref<1x128xi32, #tpu.memory_space<vmem>> -> memref<128xi32, #tpu.memory_space<vmem>>
    %dma_start3A_20 = arith.constant 0 : i32
    %dma_start3A_21 = arith.constant 0 : i32
    %dma_start3A_22 = tpu.memref_slice %arg2[%dma_start3A_20, %dma_start3A_21] : memref<10000x128xf32, #tpu.memory_space<hbm>> -> memref<10000x128xf32, #tpu.memory_space<hbm>>
    tpu.enqueue_indirect_dma source(%dma_start3A_22 : memref<10000x128xf32, #tpu.memory_space<hbm>>) target(%arg9 : memref<128x128xf32, #tpu.memory_space<vmem>>) offsets(%dma_start3A_19 : memref<128xi32, #tpu.memory_space<vmem>>) semaphore(%arg12 : memref<!tpu.dma_semaphore, #tpu.memory_space<semaphore_mem>>)
    %scan3A_23 = arith.constant 0 : i32
    %scan3A_24 = arith.constant 0 : i32
    %scan3A_25 = arith.constant 20 : i32
    %scan3A_26 = arith.addi %scan3A_24, %scan3A_25 : i32
    %scan3A_27 = arith.constant 1 : i32
    scf.for %scan3A_34 = %scan3A_24 to %scan3A_26 step %scan3A_27  : i32 {
      %mul3A_35 = arith.constant 2 : i32
      %mul3A_36 = arith.muli %mul3A_35, %scan3A_34 : i32
      %dma_wait3A = arith.constant 0 : i32
      %dma_wait3A_37 = tpu.memref_slice %arg7[%mul3A_36, %dma_wait3A] : memref<40x128xi32, #tpu.memory_space<vmem>> -> memref<1x128xi32, #tpu.memory_space<vmem>>
      %dma_wait3A_38 = tpu.memref_squeeze %dma_wait3A_37 : memref<1x128xi32, #tpu.memory_space<vmem>> -> memref<128xi32, #tpu.memory_space<vmem>>
      %dma_wait3A_39 = arith.constant 0 : i32
      %dma_wait3A_40 = arith.constant 0 : i32
      %dma_wait3A_41 = tpu.memref_slice %arg2[%dma_wait3A_39, %dma_wait3A_40] : memref<10000x128xf32, #tpu.memory_space<hbm>> -> memref<10000x128xf32, #tpu.memory_space<hbm>>
      tpu.wait_indirect_dma semaphore(%arg12 : memref<!tpu.dma_semaphore, #tpu.memory_space<semaphore_mem>>) src(%dma_wait3A_41 : memref<10000x128xf32, #tpu.memory_space<hbm>>) dst(%arg9 : memref<128x128xf32, #tpu.memory_space<vmem>>)
      %add3A_42 = arith.constant 1 : i32
      %add3A_43 = arith.addi %mul3A_36, %add3A_42 : i32
      %dma_start3A_44 = arith.constant 0 : i32
      %dma_start3A_45 = tpu.memref_slice %arg7[%add3A_43, %dma_start3A_44] : memref<40x128xi32, #tpu.memory_space<vmem>> -> memref<1x128xi32, #tpu.memory_space<vmem>>
      %dma_start3A_46 = tpu.memref_squeeze %dma_start3A_45 : memref<1x128xi32, #tpu.memory_space<vmem>> -> memref<128xi32, #tpu.memory_space<vmem>>
      %dma_start3A_47 = arith.constant 0 : i32
      %dma_start3A_48 = arith.constant 0 : i32
      %dma_start3A_49 = tpu.memref_slice %arg2[%dma_start3A_47, %dma_start3A_48] : memref<10000x128xf32, #tpu.memory_space<hbm>> -> memref<10000x128xf32, #tpu.memory_space<hbm>>
      tpu.enqueue_indirect_dma source(%dma_start3A_49 : memref<10000x128xf32, #tpu.memory_space<hbm>>) target(%arg10 : memref<128x128xf32, #tpu.memory_space<vmem>>) offsets(%dma_start3A_46 : memref<128xi32, #tpu.memory_space<vmem>>) semaphore(%arg12 : memref<!tpu.dma_semaphore, #tpu.memory_space<semaphore_mem>>)
      "tpu.region"() ({
        %run_scoped3A = tpu.sem_alloc : memref<!tpu.dma_semaphore, #tpu.memory_space<semaphore_mem>>
        %dma_start3A_64 = arith.constant 0 : i32
        %dma_start3A_65 = tpu.memref_slice %arg8[%mul3A_36, %dma_start3A_64] : memref<40x128xi32, #tpu.memory_space<vmem>> -> memref<1x128xi32, #tpu.memory_space<vmem>>
        %dma_start3A_66 = tpu.memref_squeeze %dma_start3A_65 : memref<1x128xi32, #tpu.memory_space<vmem>> -> memref<128xi32, #tpu.memory_space<vmem>>
        %dma_start3A_67 = arith.constant 0 : i32
        %dma_start3A_68 = arith.constant 0 : i32
        %dma_start3A_69 = tpu.memref_slice %arg11[%dma_start3A_67, %dma_start3A_68] : memref<10240x128xf32, #tpu.memory_space<vmem_shared>> -> memref<10240x128xf32, #tpu.memory_space<vmem_shared>>
        tpu.enqueue_indirect_dma source(%arg9 : memref<128x128xf32, #tpu.memory_space<vmem>>) target(%dma_start3A_69 : memref<10240x128xf32, #tpu.memory_space<vmem_shared>>) offsets(%dma_start3A_66 : memref<128xi32, #tpu.memory_space<vmem>>) semaphore(%run_scoped3A : memref<!tpu.dma_semaphore, #tpu.memory_space<semaphore_mem>>) {add = true}
        %dma_wait3A_70 = arith.constant 0 : i32
        %dma_wait3A_71 = tpu.memref_slice %arg8[%mul3A_36, %dma_wait3A_70] : memref<40x128xi32, #tpu.memory_space<vmem>> -> memref<1x128xi32, #tpu.memory_space<vmem>>
        %dma_wait3A_72 = tpu.memref_squeeze %dma_wait3A_71 : memref<1x128xi32, #tpu.memory_space<vmem>> -> memref<128xi32, #tpu.memory_space<vmem>>
        %dma_wait3A_73 = arith.constant 0 : i32
        %dma_wait3A_74 = arith.constant 0 : i32
        %dma_wait3A_75 = tpu.memref_slice %arg11[%dma_wait3A_73, %dma_wait3A_74] : memref<10240x128xf32, #tpu.memory_space<vmem_shared>> -> memref<10240x128xf32, #tpu.memory_space<vmem_shared>>
        tpu.wait_indirect_dma semaphore(%run_scoped3A : memref<!tpu.dma_semaphore, #tpu.memory_space<semaphore_mem>>) src(%arg9 : memref<128x128xf32, #tpu.memory_space<vmem>>) dst(%dma_wait3A_75 : memref<10240x128xf32, #tpu.memory_space<vmem_shared>>)
        tpu.yield
      }) : () -> ()
      %add3A_50 = arith.constant 1 : i32
      %add3A_51 = arith.addi %mul3A_36, %add3A_50 : i32
      %dma_wait3A_52 = arith.constant 0 : i32
      %dma_wait3A_53 = tpu.memref_slice %arg7[%add3A_51, %dma_wait3A_52] : memref<40x128xi32, #tpu.memory_space<vmem>> -> memref<1x128xi32, #tpu.memory_space<vmem>>
      %dma_wait3A_54 = tpu.memref_squeeze %dma_wait3A_53 : memref<1x128xi32, #tpu.memory_space<vmem>> -> memref<128xi32, #tpu.memory_space<vmem>>
      %dma_wait3A_55 = arith.constant 0 : i32
      %dma_wait3A_56 = arith.constant 0 : i32
      %dma_wait3A_57 = tpu.memref_slice %arg2[%dma_wait3A_55, %dma_wait3A_56] : memref<10000x128xf32, #tpu.memory_space<hbm>> -> memref<10000x128xf32, #tpu.memory_space<hbm>>
      tpu.wait_indirect_dma semaphore(%arg12 : memref<!tpu.dma_semaphore, #tpu.memory_space<semaphore_mem>>) src(%dma_wait3A_57 : memref<10000x128xf32, #tpu.memory_space<hbm>>) dst(%arg10 : memref<128x128xf32, #tpu.memory_space<vmem>>)
      %add3A_58 = arith.constant 2 : i32
      %add3A_59 = arith.addi %mul3A_36, %add3A_58 : i32
      %lt3A = arith.constant 40 : i32
      %lt3A_60 = arith.cmpi slt, %add3A_59, %lt3A : i32
      %convert_element_type3A = arith.extui %lt3A_60 : i1 to i32
      %cond3A = arith.constant 0 : i32
      %cond3A_61 = arith.cmpi ne, %convert_element_type3A, %cond3A : i32
      scf.if %cond3A_61 {
        %add3A_64 = arith.constant 2 : i32
        %add3A_65 = arith.addi %mul3A_36, %add3A_64 : i32
        %dma_start3A_66 = arith.constant 0 : i32
        %dma_start3A_67 = tpu.memref_slice %arg7[%add3A_65, %dma_start3A_66] : memref<40x128xi32, #tpu.memory_space<vmem>> -> memref<1x128xi32, #tpu.memory_space<vmem>>
        %dma_start3A_68 = tpu.memref_squeeze %dma_start3A_67 : memref<1x128xi32, #tpu.memory_space<vmem>> -> memref<128xi32, #tpu.memory_space<vmem>>
        %dma_start3A_69 = arith.constant 0 : i32
        %dma_start3A_70 = arith.constant 0 : i32
        %dma_start3A_71 = tpu.memref_slice %arg2[%dma_start3A_69, %dma_start3A_70] : memref<10000x128xf32, #tpu.memory_space<hbm>> -> memref<10000x128xf32, #tpu.memory_space<hbm>>
        tpu.enqueue_indirect_dma source(%dma_start3A_71 : memref<10000x128xf32, #tpu.memory_space<hbm>>) target(%arg9 : memref<128x128xf32, #tpu.memory_space<vmem>>) offsets(%dma_start3A_68 : memref<128xi32, #tpu.memory_space<vmem>>) semaphore(%arg12 : memref<!tpu.dma_semaphore, #tpu.memory_space<semaphore_mem>>)
      } else {
      }
      %add3A_62 = arith.constant 1 : i32
      %add3A_63 = arith.addi %mul3A_36, %add3A_62 : i32
      "tpu.region"() ({
        %run_scoped3A = tpu.sem_alloc : memref<!tpu.dma_semaphore, #tpu.memory_space<semaphore_mem>>
        %dma_start3A_64 = arith.constant 0 : i32
        %dma_start3A_65 = tpu.memref_slice %arg8[%add3A_63, %dma_start3A_64] : memref<40x128xi32, #tpu.memory_space<vmem>> -> memref<1x128xi32, #tpu.memory_space<vmem>>
        %dma_start3A_66 = tpu.memref_squeeze %dma_start3A_65 : memref<1x128xi32, #tpu.memory_space<vmem>> -> memref<128xi32, #tpu.memory_space<vmem>>
        %dma_start3A_67 = arith.constant 0 : i32
        %dma_start3A_68 = arith.constant 0 : i32
        %dma_start3A_69 = tpu.memref_slice %arg11[%dma_start3A_67, %dma_start3A_68] : memref<10240x128xf32, #tpu.memory_space<vmem_shared>> -> memref<10240x128xf32, #tpu.memory_space<vmem_shared>>
        tpu.enqueue_indirect_dma source(%arg10 : memref<128x128xf32, #tpu.memory_space<vmem>>) target(%dma_start3A_69 : memref<10240x128xf32, #tpu.memory_space<vmem_shared>>) offsets(%dma_start3A_66 : memref<128xi32, #tpu.memory_space<vmem>>) semaphore(%run_scoped3A : memref<!tpu.dma_semaphore, #tpu.memory_space<semaphore_mem>>) {add = true}
        %dma_wait3A_70 = arith.constant 0 : i32
        %dma_wait3A_71 = tpu.memref_slice %arg8[%add3A_63, %dma_wait3A_70] : memref<40x128xi32, #tpu.memory_space<vmem>> -> memref<1x128xi32, #tpu.memory_space<vmem>>
        %dma_wait3A_72 = tpu.memref_squeeze %dma_wait3A_71 : memref<1x128xi32, #tpu.memory_space<vmem>> -> memref<128xi32, #tpu.memory_space<vmem>>
        %dma_wait3A_73 = arith.constant 0 : i32
        %dma_wait3A_74 = arith.constant 0 : i32
        %dma_wait3A_75 = tpu.memref_slice %arg11[%dma_wait3A_73, %dma_wait3A_74] : memref<10240x128xf32, #tpu.memory_space<vmem_shared>> -> memref<10240x128xf32, #tpu.memory_space<vmem_shared>>
        tpu.wait_indirect_dma semaphore(%run_scoped3A : memref<!tpu.dma_semaphore, #tpu.memory_space<semaphore_mem>>) src(%arg10 : memref<128x128xf32, #tpu.memory_space<vmem>>) dst(%dma_wait3A_75 : memref<10240x128xf32, #tpu.memory_space<vmem_shared>>)
        tpu.yield
      }) : () -> ()
    }
    %scan3A_28 = arith.constant 20 : i32
    %barrier3A_29 = arith.constant 0 : index
    tpu.barrier barrier_id(%barrier3A_29)
    %mul3A_30 = arith.constant 640 : i32
    %mul3A_31 = arith.muli %arg1, %mul3A_30 : i32
    %mul3A_32 = arith.constant 640 : i32
    %mul3A_33 = arith.muli %arg1, %mul3A_32 : i32
    "tpu.region"() ({
      %run_scoped3A = tpu.sem_alloc : memref<!tpu.dma_semaphore, #tpu.memory_space<semaphore_mem>>
      %dma_start3A_34 = arith.constant 0 : i32
      %dma_start3A_35 = tpu.memref_slice %arg6[%arg0, %mul3A_33, %dma_start3A_34] : memref<2x10240x128xf32, #tpu.memory_space<hbm>> -> memref<1x640x128xf32, #tpu.memory_space<hbm>>
      %dma_start3A_36 = tpu.memref_squeeze %dma_start3A_35 : memref<1x640x128xf32, #tpu.memory_space<hbm>> -> memref<640x128xf32, #tpu.memory_space<hbm>>
      %dma_start3A_37 = arith.constant 0 : i32
      %dma_start3A_38 = tpu.memref_slice %arg11[%mul3A_31, %dma_start3A_37] : memref<10240x128xf32, #tpu.memory_space<vmem_shared>> -> memref<640x128xf32, #tpu.memory_space<vmem_shared>>
      tpu.enqueue_dma source(%dma_start3A_38 : memref<640x128xf32, #tpu.memory_space<vmem_shared>>) target(%dma_start3A_36 : memref<640x128xf32, #tpu.memory_space<hbm>>) target_semaphore(%run_scoped3A : memref<!tpu.dma_semaphore, #tpu.memory_space<semaphore_mem>>)
      %dma_wait3A = arith.constant 0 : i32
      %dma_wait3A_39 = tpu.memref_slice %arg6[%arg0, %mul3A_33, %dma_wait3A] : memref<2x10240x128xf32, #tpu.memory_space<hbm>> -> memref<1x640x128xf32, #tpu.memory_space<hbm>>
      %dma_wait3A_40 = tpu.memref_squeeze %dma_wait3A_39 : memref<1x640x128xf32, #tpu.memory_space<hbm>> -> memref<640x128xf32, #tpu.memory_space<hbm>>
      %dma_wait3A_41 = arith.constant 0 : i32
      %dma_wait3A_42 = tpu.memref_slice %arg11[%mul3A_31, %dma_wait3A_41] : memref<10240x128xf32, #tpu.memory_space<vmem_shared>> -> memref<640x128xf32, #tpu.memory_space<vmem_shared>>
      tpu.wait_dma2 semaphore(%run_scoped3A : memref<!tpu.dma_semaphore, #tpu.memory_space<semaphore_mem>>) src(%dma_wait3A_42 : memref<640x128xf32, #tpu.memory_space<vmem_shared>>) dst(%dma_wait3A_40 : memref<640x128xf32, #tpu.memory_space<hbm>>)
      tpu.yield
    }) : () -> ()
    return
  }
}

module attributes {stable_mosaic.version = 14 : i64} {
  func.func @_tc_in(%arg0: memref<2x10240x128xf32, #tpu.memory_space<vmem>>, %arg1: memref<10000x128xf32, #tpu.memory_space<vmem>>, %arg2: memref<128x128xf32, #tpu.memory_space<vmem>>, %arg3: memref<10000x128xf32, #tpu.memory_space<vmem>>, %arg4: memref<10000x128xf32, #tpu.memory_space<vmem>>) attributes {dimension_semantics = [], scalar_prefetch = 0 : i64, scratch_operands = 0 : i64, tpu.core_type = #tpu.core_type<tc>} {
    %get3A = arith.constant 0 : index
    %get3A_0 = arith.constant 0 : index
    %get3A_1 = arith.constant 0 : index
    %get3A_2 = vector.load %arg0[%get3A, %get3A_0, %get3A_1] : memref<2x10240x128xf32, #tpu.memory_space<vmem>>, vector<1x10000x128xf32>
    %get3A_3 = vector.shape_cast %get3A_2 : vector<1x10000x128xf32> to vector<10000x128xf32>
    %get3A_4 = arith.constant 1 : index
    %get3A_5 = arith.constant 0 : index
    %get3A_6 = arith.constant 0 : index
    %get3A_7 = vector.load %arg0[%get3A_4, %get3A_5, %get3A_6] : memref<2x10240x128xf32, #tpu.memory_space<vmem>>, vector<1x10000x128xf32>
    %get3A_8 = vector.shape_cast %get3A_7 : vector<1x10000x128xf32> to vector<10000x128xf32>
    %add3A = arith.addf %get3A_3, %get3A_8 : vector<10000x128xf32>
    %add3A_9 = arith.constant 1.000000e+00 : f32
    %add3A_10 = vector.broadcast %add3A_9 : f32 to vector<10000x128xf32>
    %add3A_11 = arith.addf %add3A, %add3A_10 : vector<10000x128xf32>
    %rsqrt3A = math.rsqrt %add3A_11 : vector<10000x128xf32>
    %swap3A = arith.constant 0 : index
    %swap3A_12 = arith.constant 0 : index
    %swap3A_13 = vector.load %arg3[%swap3A, %swap3A_12] : memref<10000x128xf32, #tpu.memory_space<vmem>>, vector<10000x128xf32>
    tpu.vector_store %arg3[%swap3A, %swap3A_12], %rsqrt3A {strides = array<i32>} : memref<10000x128xf32, #tpu.memory_space<vmem>>, vector<10000x128xf32>,
    %get3A_14 = arith.constant 0 : index
    %get3A_15 = arith.constant 0 : index
    %get3A_16 = vector.load %arg1[%get3A_14, %get3A_15] : memref<10000x128xf32, #tpu.memory_space<vmem>>, vector<10000x128xf32>
    %get3A_17 = arith.constant 0 : index
    %get3A_18 = arith.constant 0 : index
    %get3A_19 = vector.load %arg2[%get3A_17, %get3A_18] : memref<128x128xf32, #tpu.memory_space<vmem>>, vector<128x128xf32>
    %dot_general3A = arith.constant dense<0.000000e+00> : vector<10000x128xf32>
    %dot_general3A_20 = tpu.matmul %get3A_16, %get3A_19, %dot_general3A {dimension_numbers = #tpu.dot_dimension_numbers<[1], [0], [0], [1], [0, 0, 1, 1], [], []>, transpose_lhs_hint = false} : vector<10000x128xf32>, vector<128x128xf32>, vector<10000x128xf32> -> vector<10000x128xf32>
    %mul3A = arith.mulf %dot_general3A_20, %rsqrt3A : vector<10000x128xf32>
    %swap3A_21 = arith.constant 0 : index
    %swap3A_22 = arith.constant 0 : index
    %swap3A_23 = vector.load %arg4[%swap3A_21, %swap3A_22] : memref<10000x128xf32, #tpu.memory_space<vmem>>, vector<10000x128xf32>
    tpu.vector_store %arg4[%swap3A_21, %swap3A_22], %mul3A {strides = array<i32>} : memref<10000x128xf32, #tpu.memory_space<vmem>>, vector<10000x128xf32>,
    return
  }
}

module attributes {stable_mosaic.version = 14 : i64} {
  func.func @_tc_mid(%arg0: memref<2x10240x128xf32, #tpu.memory_space<vmem>>, %arg1: memref<10000x128xf32, #tpu.memory_space<vmem>>, %arg2: memref<10000x128xf32, #tpu.memory_space<vmem>>, %arg3: memref<1x128xf32, #tpu.memory_space<vmem>>, %arg4: memref<128x128xf32, #tpu.memory_space<vmem>>, %arg5: memref<10000x128xf32, #tpu.memory_space<vmem>>) attributes {dimension_semantics = [], scalar_prefetch = 0 : i64, scratch_operands = 0 : i64, tpu.core_type = #tpu.core_type<tc>} {
    %get3A = arith.constant 0 : index
    %get3A_0 = arith.constant 0 : index
    %get3A_1 = arith.constant 0 : index
    %get3A_2 = vector.load %arg0[%get3A, %get3A_0, %get3A_1] : memref<2x10240x128xf32, #tpu.memory_space<vmem>>, vector<1x10000x128xf32>
    %get3A_3 = vector.shape_cast %get3A_2 : vector<1x10000x128xf32> to vector<10000x128xf32>
    %get3A_4 = arith.constant 1 : index
    %get3A_5 = arith.constant 0 : index
    %get3A_6 = arith.constant 0 : index
    %get3A_7 = vector.load %arg0[%get3A_4, %get3A_5, %get3A_6] : memref<2x10240x128xf32, #tpu.memory_space<vmem>>, vector<1x10000x128xf32>
    %get3A_8 = vector.shape_cast %get3A_7 : vector<1x10000x128xf32> to vector<10000x128xf32>
    %add3A = arith.addf %get3A_3, %get3A_8 : vector<10000x128xf32>
    %get3A_9 = arith.constant 0 : index
    %get3A_10 = arith.constant 0 : index
    %get3A_11 = vector.load %arg1[%get3A_9, %get3A_10] : memref<10000x128xf32, #tpu.memory_space<vmem>>, vector<10000x128xf32>
    %add3A_12 = arith.addf %add3A, %get3A_11 : vector<10000x128xf32>
    %get3A_13 = arith.constant 0 : index
    %get3A_14 = arith.constant 0 : index
    %get3A_15 = vector.load %arg2[%get3A_13, %get3A_14] : memref<10000x128xf32, #tpu.memory_space<vmem>>, vector<10000x128xf32>
    %mul3A = arith.mulf %get3A_15, %add3A_12 : vector<10000x128xf32>
    %get3A_16 = arith.constant 0 : index
    %get3A_17 = arith.constant 0 : index
    %get3A_18 = vector.load %arg3[%get3A_16, %get3A_17] : memref<1x128xf32, #tpu.memory_space<vmem>>, vector<1x128xf32>
    %add3A_19 = vector.broadcast %get3A_18 : vector<1x128xf32> to vector<10000x128xf32>
    %add3A_20 = arith.addf %mul3A, %add3A_19 : vector<10000x128xf32>
    %max3A = arith.constant 0.000000e+00 : f32
    %max3A_21 = vector.broadcast %max3A : f32 to vector<10000x128xf32>
    %max3A_22 = arith.maximumf %add3A_20, %max3A_21 : vector<10000x128xf32>
    %get3A_23 = arith.constant 0 : index
    %get3A_24 = arith.constant 0 : index
    %get3A_25 = vector.load %arg4[%get3A_23, %get3A_24] : memref<128x128xf32, #tpu.memory_space<vmem>>, vector<128x128xf32>
    %dot_general3A = arith.constant dense<0.000000e+00> : vector<10000x128xf32>
    %dot_general3A_26 = tpu.matmul %max3A_22, %get3A_25, %dot_general3A {dimension_numbers = #tpu.dot_dimension_numbers<[1], [0], [0], [1], [0, 0, 1, 1], [], []>, transpose_lhs_hint = false} : vector<10000x128xf32>, vector<128x128xf32>, vector<10000x128xf32> -> vector<10000x128xf32>
    %get3A_27 = arith.constant 0 : index
    %get3A_28 = arith.constant 0 : index
    %get3A_29 = vector.load %arg2[%get3A_27, %get3A_28] : memref<10000x128xf32, #tpu.memory_space<vmem>>, vector<10000x128xf32>
    %mul3A_30 = arith.mulf %dot_general3A_26, %get3A_29 : vector<10000x128xf32>
    %swap3A = arith.constant 0 : index
    %swap3A_31 = arith.constant 0 : index
    %swap3A_32 = vector.load %arg5[%swap3A, %swap3A_31] : memref<10000x128xf32, #tpu.memory_space<vmem>>, vector<10000x128xf32>
    tpu.vector_store %arg5[%swap3A, %swap3A_31], %mul3A_30 {strides = array<i32>} : memref<10000x128xf32, #tpu.memory_space<vmem>>, vector<10000x128xf32>,
    return
  }
}

module attributes {stable_mosaic.version = 14 : i64} {
  func.func @_tc_out(%arg0: memref<2x10240x128xf32, #tpu.memory_space<vmem>>, %arg1: memref<10000x128xf32, #tpu.memory_space<vmem>>, %arg2: memref<10000x128xf32, #tpu.memory_space<vmem>>, %arg3: memref<1x128xf32, #tpu.memory_space<vmem>>, %arg4: memref<128x5xf32, #tpu.memory_space<vmem>>, %arg5: memref<1x5xf32, #tpu.memory_space<vmem>>, %arg6: memref<10000x5xf32, #tpu.memory_space<vmem>>) attributes {dimension_semantics = [], scalar_prefetch = 0 : i64, scratch_operands = 0 : i64, tpu.core_type = #tpu.core_type<tc>} {
    %get3A = arith.constant 0 : index
    %get3A_0 = arith.constant 0 : index
    %get3A_1 = arith.constant 0 : index
    %get3A_2 = vector.load %arg0[%get3A, %get3A_0, %get3A_1] : memref<2x10240x128xf32, #tpu.memory_space<vmem>>, vector<1x10000x128xf32>
    %get3A_3 = vector.shape_cast %get3A_2 : vector<1x10000x128xf32> to vector<10000x128xf32>
    %get3A_4 = arith.constant 1 : index
    %get3A_5 = arith.constant 0 : index
    %get3A_6 = arith.constant 0 : index
    %get3A_7 = vector.load %arg0[%get3A_4, %get3A_5, %get3A_6] : memref<2x10240x128xf32, #tpu.memory_space<vmem>>, vector<1x10000x128xf32>
    %get3A_8 = vector.shape_cast %get3A_7 : vector<1x10000x128xf32> to vector<10000x128xf32>
    %add3A = arith.addf %get3A_3, %get3A_8 : vector<10000x128xf32>
    %get3A_9 = arith.constant 0 : index
    %get3A_10 = arith.constant 0 : index
    %get3A_11 = vector.load %arg1[%get3A_9, %get3A_10] : memref<10000x128xf32, #tpu.memory_space<vmem>>, vector<10000x128xf32>
    %add3A_12 = arith.addf %add3A, %get3A_11 : vector<10000x128xf32>
    %get3A_13 = arith.constant 0 : index
    %get3A_14 = arith.constant 0 : index
    %get3A_15 = vector.load %arg2[%get3A_13, %get3A_14] : memref<10000x128xf32, #tpu.memory_space<vmem>>, vector<10000x128xf32>
    %mul3A = arith.mulf %get3A_15, %add3A_12 : vector<10000x128xf32>
    %get3A_16 = arith.constant 0 : index
    %get3A_17 = arith.constant 0 : index
    %get3A_18 = vector.load %arg3[%get3A_16, %get3A_17] : memref<1x128xf32, #tpu.memory_space<vmem>>, vector<1x128xf32>
    %add3A_19 = vector.broadcast %get3A_18 : vector<1x128xf32> to vector<10000x128xf32>
    %add3A_20 = arith.addf %mul3A, %add3A_19 : vector<10000x128xf32>
    %max3A = arith.constant 0.000000e+00 : f32
    %max3A_21 = vector.broadcast %max3A : f32 to vector<10000x128xf32>
    %max3A_22 = arith.maximumf %add3A_20, %max3A_21 : vector<10000x128xf32>
    %get3A_23 = arith.constant 0 : index
    %get3A_24 = arith.constant 0 : index
    %get3A_25 = vector.load %arg4[%get3A_23, %get3A_24] : memref<128x5xf32, #tpu.memory_space<vmem>>, vector<128x5xf32>
    %dot_general3A = arith.constant dense<0.000000e+00> : vector<10000x5xf32>
    %dot_general3A_26 = tpu.matmul %max3A_22, %get3A_25, %dot_general3A {dimension_numbers = #tpu.dot_dimension_numbers<[1], [0], [0], [1], [0, 0, 1, 1], [], []>, transpose_lhs_hint = false} : vector<10000x128xf32>, vector<128x5xf32>, vector<10000x5xf32> -> vector<10000x5xf32>
    %get3A_27 = arith.constant 0 : index
    %get3A_28 = arith.constant 0 : index
    %get3A_29 = vector.load %arg5[%get3A_27, %get3A_28] : memref<1x5xf32, #tpu.memory_space<vmem>>, vector<1x5xf32>
    %add3A_30 = vector.broadcast %get3A_29 : vector<1x5xf32> to vector<10000x5xf32>
    %add3A_31 = arith.addf %dot_general3A_26, %add3A_30 : vector<10000x5xf32>
    %swap3A = arith.constant 0 : index
    %swap3A_32 = arith.constant 0 : index
    %swap3A_33 = vector.load %arg6[%swap3A, %swap3A_32] : memref<10000x5xf32, #tpu.memory_space<vmem>>, vector<10000x5xf32>
    tpu.vector_store %arg6[%swap3A, %swap3A_32], %add3A_31 {strides = array<i32>} : memref<10000x5xf32, #tpu.memory_space<vmem>>, vector<10000x5xf32>,
    return
  }
}

</mosaic_0001>

<sc_bundles>
// kernel: kernel.11.cloned.1.call-start
scs
__scs_entry_jumppad:
0x0: {  	(pc) =	sbr.rel $0x88, $3  }
0x1: {  	(tag) =	ssettag $0x0;
	lr =	simm.s32 $0x1  }
0x2: {  	[smem:$0x3F99] =	sst lr;
	_ =	strace $0xD0000000  }
0x3: {  	_ = 	snop  }
0x4: {  	_ = 	snop  }
0x5: {  	_ = 	snop  }
0x6: {  	_ = 	snop  }
0x7: {  	_ = 	snop  }
__scs_overlays_trampoline_lowered:
0x8: {  	[smem:$0x3FA8] =	sst s0  }
0x9: {  	[smem:$0x3FA9] =	sst s1  }
0xa: {  	[smem:$0x3FAA] =	sst s2  }
0xb: {  	[smem:$0x3FAB] =	sst s3  }
0xc: {  	[smem:$0x3FAC] =	sst s4  }
0xd: {  	[smem:$0x3FAD] =	sst s5  }
0xe: {  	[smem:$0x3FAE] =	sst s6  }
0xf: {  	[smem:$0x3FAF] =	sst s7  }
0x10: {  	[smem:$0x3FB0] =	sst s8  }
0x11: {  	[smem:$0x3FB1] =	sst s9;
	s0 =	simm.s32 @!p0 $0x0  }
0x12: {  	s1 =	sld [smem:$0x3F97];
	s0 =	simm.s32 @p0 $0x1  }
0x13: {  	[smem:$0x3FB2] =	sst s0;
	s0 =	simm.s32 @!p1 $0x0  }
0x14: {  	s2 =	sld [smem:$0x3F96];
	s0 =	simm.s32 @p1 $0x1  }
0x15: {  	[smem:$0x3FB3] =	sst s0;
	s0 =	simm.s32 @!p2 $0x0  }
0x16: {  	s3 =	sld [smem:$0x3FDB];
	s0 =	simm.s32 @p2 $0x1  }
0x17: {  	s4 =	simm.s32 $0x1BF5;
	[smem:$0x3FB5] =	sst s0  }
0x18: {  	s0 =	sld [smem:$0x3F98];
	_ =	swait.ge [sflag:s4], $0x0  }
0x19: {  	s7 =	sld [smem:$0x3F99]  }
0x1a: {  	s8 =	sadd.s32 $0xFFFFE003, lr  }
0x1b: {  	s9 =	sadd.s32 $0xFFFFFEF7, lr;
	s5 =	simm.s32 $0xFFFFFFFF;
	p2 =	slt.u32 s8, $0xFFFFF086  }
0x1c: {  	p1 =	slt.u32 s9, $0xF7A;
	s5 =	simm.s32 @!p2 $0x0  }
0x1d: {  	s5 =	simm.s32 @p1 $0x1;
	p0 =	seq.s32 s7, s2  }
0x1e: {  	s7 =	smul.u32 @!p0 $0xF7A, s2;
	p2 =	seq.s32 @!p0 s5, $0x0  }
0x1f: {  	s9 =	smul.u32 $0xF7A, s1;
	s8 =	simm.s32 @!p0 $0x1BF5;
	p2 =	por !p2, p0  }
0x20: {  	[sflag:s8] =	ssyncset.s32 @!p0 $0xFFFFF086;
	s6 =	sadd.s32 @!p0 s3, s7;
	s7 =	simm.s32 @!p0 $0x108  }
0x21: {  	s3 =	sadd.s32 s3, s9;
	s6 =	sadd.s32 @!p0 $0x88, s6;
	s7 =	simm.s32 @p2 $0x1082  }
0x22: {  	[simem:s7], [sflag:s8] =	dma.local @!p0 [hbm:s6], $0xF7A  }
0x23: {  	s9 =	sor.u32 $0xD0000000, s2;
	s6 =	simm.s32 $0x108;
	_ =	swait.ge @!p0 [sflag:s8], $0x0  }
0x24: {  	s3 =	sadd.s32 $0x88, s3;
	s6 =	simm.s32 @!p1 $0x1082;
	[sflag:s4] =	ssyncset.s32 $0xFFFFF086  }
0x25: {  	[simem:s6], [sflag:s4] =	dma.local [hbm:s3], $0xF7A  }
0x26: {  	[smem:$0x3F99] =	sst s1;
	(tag) =	ssettag s2;
	_ =	strace s9  }
0x27: {  	s1 =	sld [smem:$0x3FA9]  }
0x28: {  	s2 =	sld [smem:$0x3FAA]  }
0x29: {  	s4 =	sld [smem:$0x3FAC]  }
0x2a: {  	p0 =	seq.s32 s5, $0x0;
	s5 =	sld [smem:$0x3FAD]  }
0x2b: {  	s6 =	sld [smem:$0x3FAE]  }
0x2c: {  	s7 =	sld [smem:$0x3FAF]  }
0x2d: {  	s3 =	simm.s32 $0x108;
	s8 =	sld [smem:$0x3FB0]  }
0x2e: {  	s3 =	simm.s32 @!p0 $0x1082;
	s9 =	sld [smem:$0x3FB1]  }
0x2f: {  	lr =	sadd.s32 s0, s3;
	s0 =	sld [smem:$0x3FA8]  }
0x30: {  	s3 =	sld [smem:$0x3FAB]  }
0x31: {  	[smem:$0x3FB4] =	sst s10  }
0x32: {  	s10 =	sld [smem:$0x3FB2];
	_ =	sdelay $0x3  }
0x33: {  	p0 =	seq.s32 s10, $0x1;
	s10 =	sld [smem:$0x3FB4];
	_ =	sdelay $0x3  }
0x34: {  	[smem:$0x3FB4] =	sst s10  }
0x35: {  	s10 =	sld [smem:$0x3FB3];
	_ =	sdelay $0x3  }
0x36: {  	p1 =	seq.s32 s10, $0x1;
	s10 =	sld [smem:$0x3FB4];
	_ =	sdelay $0x3  }
0x37: {  	[smem:$0x3FB4] =	sst s10  }
0x38: {  	s10 =	sld [smem:$0x3FB5]  }
0x39: {  	_ = 	snop;
	(pc) =	sbr.ind lr, $3  }
0x3a: {  	_ = 	snop  }
0x3b: {  	_ = 	snop  }
0x3c: {  	p2 =	seq.s32 s10, $0x1;
	s10 =	sld [smem:$0x3FB4]  }
0x3d: {  	_ =	shalt  }
0x3e: {  	_ =	shalt  }
0x3f: {  	_ =	shalt  }
0x40: {  	_ =	shalt  }
0x41: {  	_ =	shalt  }
0x42: {  	_ =	shalt  }
0x43: {  	_ =	shalt  }
0x44: {  	_ =	shalt  }
0x45: {  	_ =	shalt  }
0x46: {  	_ =	shalt  }
0x47: {  	_ =	shalt  }
0x48: {  	_ =	shalt  }
0x49: {  	_ =	shalt  }
0x4a: {  	_ =	shalt  }
0x4b: {  	_ =	shalt  }
0x4c: {  	_ =	shalt  }
0x4d: {  	_ =	shalt  }
0x4e: {  	_ =	shalt  }
0x4f: {  	_ =	shalt  }
0x50: {  	_ =	shalt  }
0x51: {  	_ =	shalt  }
0x52: {  	_ =	shalt  }
0x53: {  	_ =	shalt  }
0x54: {  	_ =	shalt  }
0x55: {  	_ =	shalt  }
0x56: {  	_ =	shalt  }
0x57: {  	_ =	shalt  }
0x58: {  	_ =	shalt  }
0x59: {  	_ =	shalt  }
0x5a: {  	_ =	shalt  }
0x5b: {  	_ =	shalt  }
0x5c: {  	_ =	shalt  }
0x5d: {  	_ =	shalt  }
0x5e: {  	_ =	shalt  }
0x5f: {  	_ =	shalt  }
0x60: {  	_ =	shalt  }
0x61: {  	_ =	shalt  }
0x62: {  	_ =	shalt  }
0x63: {  	_ =	shalt  }
0x64: {  	_ =	shalt  }
0x65: {  	_ =	shalt  }
0x66: {  	_ =	shalt  }
0x67: {  	_ =	shalt  }
0x68: {  	_ =	shalt  }
0x69: {  	_ =	shalt  }
0x6a: {  	_ =	shalt  }
0x6b: {  	_ =	shalt  }
0x6c: {  	_ =	shalt  }
0x6d: {  	_ =	shalt  }
0x6e: {  	_ =	shalt  }
0x6f: {  	_ =	shalt  }
0x70: {  	_ =	shalt  }
0x71: {  	_ =	shalt  }
0x72: {  	_ =	shalt  }
0x73: {  	_ =	shalt  }
0x74: {  	_ =	shalt  }
0x75: {  	_ =	shalt  }
0x76: {  	_ =	shalt  }
0x77: {  	_ =	shalt  }
0x78: {  	_ =	shalt  }
0x79: {  	_ =	shalt  }
0x7a: {  	_ =	shalt  }
0x7b: {  	_ =	shalt  }
0x7c: {  	_ =	shalt  }
0x7d: {  	_ =	shalt  }
0x7e: {  	_ =	shalt  }
0x7f: {  	_ =	shalt  }
0x80: {  	_ =	shalt  }
0x81: {  	_ =	shalt  }
0x82: {  	_ =	shalt  }
0x83: {  	_ =	shalt  }
0x84: {  	_ =	shalt  }
0x85: {  	_ =	shalt  }
0x86: {  	_ =	shalt  }
0x87: {  	_ =	shalt  }
.Lfunc_end0:
.L_simem_size_0:
called_computation.1_lowered:
.L_overlay_start_0:
0x88: {  	s2 =	sld [smem:$0x3FD9]  }
0x89: {  	s3 =	sld [smem:$0x3FFE];
	_ =	sdelay $0x1  }
0x8a: {  	s1 =	srdreg.scid  }
0x8b: {  	s0 =	sand.u32 $0x1, s1  }
0x8c: {  	s16 =	sshll.u32 s0, $0xA;
	s2 =	sadd.s32 s3, s2  }
0x8d: {  	s2 =	sadd.s32 s2, s16  }
0x8e: {  	[smem:$0x3FC0] =	sst s2  }
0x8f: {  	_ = 	snop  }
0x90: {  	(tm) =	ssettm $0x1  }
0x91: {  	s17 =	sld [smem:$0x3FFB];
	_ =	sdelay $0x3  }
0x92: {  	_ =	strace s17  }
0x93: {  	s2 =	sld [smem:$0x3FFC];
	_ =	sdelay $0x3  }
0x94: {  	_ =	strace s2  }
0x95: {  	s2 =	sld [smem:$0x3FFD];
	_ =	sdelay $0x3  }
0x96: {  	_ =	strace s2  }
0x97: {  	_ =	strace $0x8FFFFFFF  }
0x98: {  	s18 =	sld [smem:$0x3FDB];
	_ =	sdelay $0x1  }
0x99: {  	s19 =	simm.s32 $_scs_section_size  }
0x9a: {  	s4 =	simm.s32 $_size__tile_overlayer_lowered;
	s5 =	simm.s32 $_tile_overlayer_lowered  }
0x9b: {  	s22 =	simm.s32 $0x1BFF;
	s21 =	sshll.u32 s5, $0x1;
	s2 =	sadd.s32 s19, s18  }
0x9c: {  	s6 =	simm.s32 $0x0;
	s20 =	sshll.u32 s4, $0x1;
	s4 =	sadd.s32 s21, s2  }
0x9d: {  	[timem:s6], [sflag:s22] =	dma.local [hbm:s4], s20  }
0x9e: {  	_ =	swait.ge [sflag:s22], s20  }
0x9f: {  	s3 =	ssub.s32 $0x0, s20;
	[sflag:s22] =	ssyncset.done $0x0  }
0xa0: {  	[sflag:s22] =	ssyncadd.s32 s3;
	_ =	sdelay $0x1  }
0xa1: {  	s23 =	simm.s32 $0x1B8B  }
0xa2: {  	_ =	swait.ge [sflag:s23], $0x1  }
0xa3: {  	[sflag:s23] =	ssyncset.done $0x0  }
0xa4: {  	s25 =	simm.s32 $0x1B8E;
	s24 =	sld [smem:$0x3FFE];
	[sflag:s23] =	ssyncadd.s32 $0xFFFFFFFF  }
0xa5: {  	s26 =	simm.s32 $execute0_lowered;
	[smem:$0x3FD2] =	sst s25  }
0xa6: {  	s4 =	sshll.u32 s26, $0x1;
	_ =	strace $0x80000049;
	[dreg:$0x1] =	wrdreg $0xFFFFFFFF  }
0xa7: {  	s28 =	simm.s32 $_size_execute0_lowered;
	s2 =	sadd.s32 s2, s4;
	[dreg:$0x0] =	wrdreg $0x0  }
0xa8: {  	s4 =	sshll.u32 s28, $0x1;
	[dreg:$0x2] =	wrdreg s2  }
0xa9: {  	[dreg:$0x3] =	wrdreg s4  }
0xaa: {  	[dreg:$0x4] =	wrdreg $0xC0  }
0xab: {  	_ =	task [dreg:s6], $0x5FFFF  }
0xac: {  	[dreg:$0x1] =	wrdreg $0xFFFFFFFF  }
0xad: {  	[dreg:$0x0] =	wrdreg $0x60  }
0xae: {  	[dreg:$0x2] =	wrdreg s24  }
0xaf: {  	[dreg:$0x3] =	wrdreg $0xA8000  }
0xb0: {  	[dreg:$0x4] =	wrdreg $0x9  }
0xb1: {  	_ =	task.clear_ibuf [dreg:s6], $0x5FFFF;
	_ =	strace $0x90000049  }
0xb2: {  	s29 =	simm.s32 $0x9;
	_ =	strace $0x8000004B  }
0xb3: {  	_ =	swait.ge [sflag:s29], $0x1  }
0xb4: {  	[sflag:s29] =	ssyncadd.s32 $0xFFFFFFFF  }
0xb5: {  	_ =	strace $0x9000004B  }
0xb6: {  	_ =	sfence  }
0xb7: {  	s30 =	sld [smem:$0x0];
	_ =	sdelay $0x2  }
0xb8: {  	s31 =	sshll.u32 s1, $0xD;
	s1 =	sshrl.u32 s1, $0x2  }
0xb9: {  	s3 =	sand.u32 $0x4000, s31;
	s1 =	sadd.s32 s1, s30  }
0xba: {  	s0 =	sor.u32 s3, s0;
	s1 =	sshll.u32 s1, $0x11  }
0xbb: {  	s0 =	sor.u32 s1, s0  }
0xbc: {  	s0 =	sadd.s32 $0x8F2B, s0  }
0xbd: {  	[sflag:s0] =	ssyncadd.remote.s32 $0x1  }
0xbe: {  	_ =	sfence.sel $0xFFFF  }
0xbf: {  	[dreg:$0x0] =	wrdreg $0xFFFFFFFF;
	(pc) =	sbr.abs _section_cstart, $3  }
0xc0: {  	[dreg:$0x1] =	wrdreg $0xFFFFFFFF  }
0xc1: {  	_ =	task.clear_ibuf [dreg:s6], $0x2FFFF;
	_ =	strace $0x9FFFFFFF  }
0xc2: {  	(tm) =	ssettm $0x7FFFFFFF  }
0xc3: {  	_ =	shalt  }
tec
execute0_lowered:
.L_overlay_start_1:
0x0: {  	(tag) =	ssettag $0x1  }
0x1: {  	s5 =	rddreg [dreg:$0x0]  }
0x2: {  	s2 =	rddreg [dreg:$0x1]  }
0x3: {  	s0 =	rddreg [dreg:$0x2];
	s3 =	simm.s32 $0x0;
	s1 =	stileid.u32  }
0x4: {  	s4 =	srdreg.scid;
	s16 =	simm.s32 $0x80;
	s17 =	simm.s32 $0x2800  }
0x5: {  	s18 =	simm.s32 $0x1;
	s19 =	simm.s32 $0x6800;
	s20 =	simm.s32 $0x1380  }
0x6: {  	s21 =	simm.s32 $0x2700;
	s22 =	simm.s32 $0x2780;
	s23 =	simm.s32 $0x0  }
0x7: {  	[smem:$0x7FF] =	sst s3;
	s6 =	smul.u32 $0x14000, s1;
	s7 =	sand.u32 $0x1, s4  }
0x8: {  	s4 =	sadd.s32 $0x3EA00, s5;
	s9 =	sadd.s32 $0xCA00, s5;
	s11 =	sadd.s32 $0x2A00, s5  }
0x9: {  	s26 =	smul.u32 $0x50000, s1;
	s30 =	sshll.u32 s1, $0x6;
	_ =	strace $0x8000004A  }
0xa: {  	s8 =	smul.u32 $0x140000, s7;
	s12 =	sshll.u32 s7, $0x4;
	s28 =	ssub.s32 $0x2, s7  }
0xb: {  	s10 =	sshrl.u32 s6, $0x3;
	s29 =	sor.u32 s1, s12;
	s7 =	sshrl.u32 s28, $0x1  }
0xc: {  	s10 =	sadd.s32 s10, s5;
	s6 =	sadd.s32 s6, s8;
	s8 =	sshrl.u32 s26, $0x2  }
0xd: {  	s12 =	smul.u32 $0x2800, s29;
	s14 =	ssub.s32 s28, s7;
	s6 =	sshrl.u32 s6, $0x3  }
0xe: {  	s15 =	sadd.s32 s8, s2;
	s13 =	sadd.s32 s6, s5;
	s5 =	sadd.s32 $0x16A00, s10  }
0xf: {  	s6 =	sor.u32 $0x1C02, s30;
	s31 =	sshrl.u32 s12, $0x3;
	s12 =	smax.u32 s14, $0x1  }
0x10: {  	s14 =	simm.s32 $0x2;
	s7 =	sadd.s32 s9, s31;
	s10 =	sadd.s32 $0x280, s31  }
0x11: {  	s8 =	sadd.s32 s11, s31;
	s9 =	sadd.s32 s9, s10;
	s10 =	sadd.s32 s11, s10  }
0x12: {  	s11 =	sadd.s32 $0x65C00, s13;
	s13 =	sshrl.u32 s15, $0x3;
	s15 =	simm.s32 $0x1400  }
.LBB2_1:
0x13: {  	[spmem:s13], [sflag:s6] =	dma.local [hbm:s5], $0x2800  }
0x14: {  	_ =	swait.ge [sflag:s14], $0x2800  }
0x15: {  	[sflag:s14] =	ssyncset.done $0x0  }
0x16: {  	[sflag:s14] =	ssyncadd.s32 $0xFFFFD800  }
0x17: {  	[bflag:$0x0] =	sbarrier.arrive $0xFFFF  }
0x18: {  	[tilespmem:s3], [sflag:$0x2] =	stream.linear.gather [hbm4b:s7+s3], $0x1400, $0x38;
	[tilespmem:$0x1E800] =	vst v63  }
0x19: {  	_ =	swait.ge [sflag:s14], $0x1400  }
0x1a: {  	[sflag:s14] =	ssyncset.done $0x0  }
0x1b: {  	[sflag:s14] =	ssyncadd.s32 $0xFFFFEC00  }
0x1c: {  	[tilespmem:s15], [sflag:$0x2] =	stream.linear.gather [hbm4b:s8+s3], $0x1400, $0x38;
	[tilespmem:$0x1E800] =	vst v63  }
0x1d: {  	_ =	swait.ge [sflag:s14], $0x1400  }
0x1e: {  	[sflag:s14] =	ssyncset.done $0x0  }
0x1f: {  	[sflag:s14] =	ssyncadd.s32 $0xFFFFEC00  }
0x20: {  	[tilespmem:s17], [sflag:$0x1] =	stream.indirect.gather [hbm4b:s4+s16], $0x80, s3, s16, $0xb8;
	[tilespmem:$0x1E800] =	vst v63  }
0x21: {  	_ =	swait.ge [sflag:s18], $0x4000  }
0x22: {  	[sflag:s18] =	ssyncset.done $0x0  }
0x23: {  	s24 =	simm.s32 $0x80;
	[sflag:s18] =	ssyncadd.s32 $0xFFFFC000  }
0x24: {  	[tilespmem:s19], [sflag:$0x1] =	stream.indirect.gather [hbm4b:s4+s16], $0x80, s24, s16, $0xb8;
	[tilespmem:$0x1E800] =	vst v63  }
0x25: {  	s29 =	simm.s32 $0x1400  }
0x26: {  	[spmem:s2] =	stream.indirect.scatter.add.f32 [tilespmem:s17], [sflag:$0x2], $0x80, s29, s16, $0xb8;
	[tilespmem:$0x1E800] =	vst v63  }
0x27: {  	_ =	swait.ge [sflag:s14], $0x4000  }
0x28: {  	[sflag:s14] =	ssyncset.done $0x0  }
0x29: {  	[sflag:s14] =	ssyncadd.s32 $0xFFFFC000  }
0x2a: {  	_ =	swait.ge [sflag:s18], $0x4000  }
0x2b: {  	[sflag:s18] =	ssyncset.done $0x0  }
0x2c: {  	s30 =	simm.s32 $0x100;
	[sflag:s18] =	ssyncadd.s32 $0xFFFFC000  }
0x2d: {  	[tilespmem:s17], [sflag:$0x1] =	stream.indirect.gather [hbm4b:s4+s16], $0x80, s30, s16, $0xb8;
	[tilespmem:$0x1E800] =	vst v63  }
0x2e: {  	s31 =	simm.s32 $0x1480  }
0x2f: {  	[spmem:s2] =	stream.indirect.scatter.add.f32 [tilespmem:s19], [sflag:$0x2], $0x80, s31, s16, $0xb8;
	[tilespmem:$0x1E800] =	vst v63  }
0x30: {  	_ =	swait.ge [sflag:s14], $0x4000  }
0x31: {  	s24 =	simm.s32 $0x400;
	[sflag:s14] =	ssyncset.done $0x0  }
.LBB2_2:
0x32: {  	p0 =	sne.s32 s24, $0x4800  }
0x33: {  	[sflag:s14] =	ssyncadd.s32 $0xFFFFC000;
	s25 =	smov.u32 s24;
	s24 =	sadd.s32 $0x400, s24  }
0x34: {  	_ = 	snop  }
0x35: {  	_ =	swait.ge [sflag:s18], $0x4000  }
0x36: {  	s25 =	sshra.s32 s25, $0x2;
	[sflag:s18] =	ssyncset.done $0x0  }
0x37: {  	s26 =	sadd.s32 $0x80, s25;
	[sflag:s18] =	ssyncadd.s32 $0xFFFFC000  }
0x38: {  	[tilespmem:s19], [sflag:$0x1] =	stream.indirect.gather [hbm4b:s4+s16], $0x80, s26, s16, $0xb8;
	[tilespmem:$0x1E800] =	vst v63  }
0x39: {  	s26 =	sadd.s32 $0x1400, s25  }
0x3a: {  	[spmem:s2] =	stream.indirect.scatter.add.f32 [tilespmem:s17], [sflag:$0x2], $0x80, s26, s16, $0xb8;
	[tilespmem:$0x1E800] =	vst v63  }
0x3b: {  	_ =	swait.ge [sflag:s14], $0x4000  }
0x3c: {  	[sflag:s14] =	ssyncset.done $0x0  }
0x3d: {  	[sflag:s14] =	ssyncadd.s32 $0xFFFFC000  }
0x3e: {  	_ =	swait.ge [sflag:s18], $0x4000  }
0x3f: {  	[sflag:s18] =	ssyncset.done $0x0  }
0x40: {  	s26 =	sadd.s32 $0x100, s25;
	[sflag:s18] =	ssyncadd.s32 $0xFFFFC000  }
0x41: {  	[tilespmem:s17], [sflag:$0x1] =	stream.indirect.gather [hbm4b:s4+s16], $0x80, s26, s16, $0xb8;
	[tilespmem:$0x1E800] =	vst v63  }
.Ltmp0:
0x42: {  	_ = 	snop;
	(pc) =	sbr.rel @p0 .LBB2_2-.Ltmp0, $4  }
0x43: {  	s25 =	sadd.s32 $0x1480, s25  }
0x44: {  	[spmem:s2] =	stream.indirect.scatter.add.f32 [tilespmem:s19], [sflag:$0x2], $0x80, s25, s16, $0xb8;
	[tilespmem:$0x1E800] =	vst v63  }
0x45: {  	_ =	swait.ge [sflag:s14], $0x4000  }
0x46: {  	[sflag:s14] =	ssyncset.done $0x0  }
0x47: {  	[sflag:s14] =	ssyncadd.s32 $0xFFFFC000  }
0x48: {  	_ =	swait.ge [sflag:s18], $0x4000  }
0x49: {  	[sflag:s18] =	ssyncset.done $0x0  }
0x4a: {  	[sflag:s18] =	ssyncadd.s32 $0xFFFFC000  }
0x4b: {  	[tilespmem:s19], [sflag:$0x1] =	stream.indirect.gather [hbm4b:s4+s16], $0x80, s20, s16, $0xb8;
	[tilespmem:$0x1E800] =	vst v63  }
0x4c: {  	_ = 	snop  }
0x4d: {  	[spmem:s2] =	stream.indirect.scatter.add.f32 [tilespmem:s17], [sflag:$0x2], $0x80, s21, s16, $0xb8;
	[tilespmem:$0x1E800] =	vst v63  }
0x4e: {  	_ =	swait.ge [sflag:s14], $0x4000  }
0x4f: {  	[sflag:s14] =	ssyncset.done $0x0  }
0x50: {  	[sflag:s14] =	ssyncadd.s32 $0xFFFFC000  }
0x51: {  	_ =	swait.ge [sflag:s18], $0x4000  }
0x52: {  	[sflag:s18] =	ssyncset.done $0x0  }
0x53: {  	[sflag:s18] =	ssyncadd.s32 $0xFFFFC000  }
0x54: {  	[spmem:s2] =	stream.indirect.scatter.add.f32 [tilespmem:s19], [sflag:$0x2], $0x80, s22, s16, $0xb8;
	[tilespmem:$0x1E800] =	vst v63  }
0x55: {  	_ =	swait.ge [sflag:s14], $0x4000  }
0x56: {  	[sflag:s14] =	ssyncset.done $0x0  }
0x57: {  	s24 =	simm.s32 $0x0;
	[sflag:s14] =	ssyncadd.s32 $0xFFFFC000  }
0x58: {  	[tilespmem:s24], [sflag:$0x2] =	stream.linear.gather [hbm4b:s9+s24], $0x1400, $0x38;
	[tilespmem:$0x1E800] =	vst v63  }
0x59: {  	_ =	swait.ge [sflag:s14], $0x1400  }
0x5a: {  	[sflag:s14] =	ssyncset.done $0x0  }
0x5b: {  	[sflag:s14] =	ssyncadd.s32 $0xFFFFEC00  }
0x5c: {  	[tilespmem:s15], [sflag:$0x2] =	stream.linear.gather [hbm4b:s10+s24], $0x1400, $0x38;
	[tilespmem:$0x1E800] =	vst v63  }
0x5d: {  	_ =	swait.ge [sflag:s14], $0x1400  }
0x5e: {  	[sflag:s14] =	ssyncset.done $0x0  }
0x5f: {  	[sflag:s14] =	ssyncadd.s32 $0xFFFFEC00  }
0x60: {  	[tilespmem:s17], [sflag:$0x1] =	stream.indirect.gather [hbm4b:s4+s16], $0x80, s24, s16, $0xb8;
	[tilespmem:$0x1E800] =	vst v63  }
0x61: {  	_ =	swait.ge [sflag:s18], $0x4000  }
0x62: {  	[sflag:s18] =	ssyncset.done $0x0  }
0x63: {  	s28 =	simm.s32 $0x80;
	[sflag:s18] =	ssyncadd.s32 $0xFFFFC000  }
0x64: {  	[tilespmem:s19], [sflag:$0x1] =	stream.indirect.gather [hbm4b:s4+s16], $0x80, s28, s16, $0xb8;
	[tilespmem:$0x1E800] =	vst v63  }
0x65: {  	s29 =	simm.s32 $0x1400  }
0x66: {  	[spmem:s2] =	stream.indirect.scatter.add.f32 [tilespmem:s17], [sflag:$0x2], $0x80, s29, s16, $0xb8;
	[tilespmem:$0x1E800] =	vst v63  }
0x67: {  	_ =	swait.ge [sflag:s14], $0x4000  }
0x68: {  	[sflag:s14] =	ssyncset.done $0x0  }
0x69: {  	[sflag:s14] =	ssyncadd.s32 $0xFFFFC000  }
0x6a: {  	_ =	swait.ge [sflag:s18], $0x4000  }
0x6b: {  	[sflag:s18] =	ssyncset.done $0x0  }
0x6c: {  	s30 =	simm.s32 $0x100;
	[sflag:s18] =	ssyncadd.s32 $0xFFFFC000  }
0x6d: {  	[tilespmem:s17], [sflag:$0x1] =	stream.indirect.gather [hbm4b:s4+s16], $0x80, s30, s16, $0xb8;
	[tilespmem:$0x1E800] =	vst v63  }
0x6e: {  	s31 =	simm.s32 $0x1480  }
0x6f: {  	[spmem:s2] =	stream.indirect.scatter.add.f32 [tilespmem:s19], [sflag:$0x2], $0x80, s31, s16, $0xb8;
	[tilespmem:$0x1E800] =	vst v63  }
0x70: {  	_ =	swait.ge [sflag:s14], $0x4000  }
0x71: {  	s24 =	simm.s32 $0x400;
	[sflag:s14] =	ssyncset.done $0x0  }
.LBB2_4:
0x72: {  	p0 =	sne.s32 s24, $0x4800  }
0x73: {  	[sflag:s14] =	ssyncadd.s32 $0xFFFFC000;
	s25 =	smov.u32 s24;
	s24 =	sadd.s32 $0x400, s24  }
0x74: {  	_ = 	snop  }
0x75: {  	_ =	swait.ge [sflag:s18], $0x4000  }
0x76: {  	s25 =	sshra.s32 s25, $0x2;
	[sflag:s18] =	ssyncset.done $0x0  }
0x77: {  	s26 =	sadd.s32 $0x80, s25;
	[sflag:s18] =	ssyncadd.s32 $0xFFFFC000  }
0x78: {  	[tilespmem:s19], [sflag:$0x1] =	stream.indirect.gather [hbm4b:s4+s16], $0x80, s26, s16, $0xb8;
	[tilespmem:$0x1E800] =	vst v63  }
0x79: {  	s26 =	sadd.s32 $0x1400, s25  }
0x7a: {  	[spmem:s2] =	stream.indirect.scatter.add.f32 [tilespmem:s17], [sflag:$0x2], $0x80, s26, s16, $0xb8;
	[tilespmem:$0x1E800] =	vst v63  }
0x7b: {  	_ =	swait.ge [sflag:s14], $0x4000  }
0x7c: {  	[sflag:s14] =	ssyncset.done $0x0  }
0x7d: {  	[sflag:s14] =	ssyncadd.s32 $0xFFFFC000  }
0x7e: {  	_ =	swait.ge [sflag:s18], $0x4000  }
0x7f: {  	[sflag:s18] =	ssyncset.done $0x0  }
0x80: {  	s26 =	sadd.s32 $0x100, s25;
	[sflag:s18] =	ssyncadd.s32 $0xFFFFC000  }
0x81: {  	[tilespmem:s17], [sflag:$0x1] =	stream.indirect.gather [hbm4b:s4+s16], $0x80, s26, s16, $0xb8;
	[tilespmem:$0x1E800] =	vst v63  }
.Ltmp1:
0x82: {  	_ = 	snop;
	(pc) =	sbr.rel @p0 .LBB2_4-.Ltmp1, $4  }
0x83: {  	s25 =	sadd.s32 $0x1480, s25  }
0x84: {  	[spmem:s2] =	stream.indirect.scatter.add.f32 [tilespmem:s19], [sflag:$0x2], $0x80, s25, s16, $0xb8;
	[tilespmem:$0x1E800] =	vst v63  }
0x85: {  	_ =	swait.ge [sflag:s14], $0x4000  }
0x86: {  	[sflag:s14] =	ssyncset.done $0x0  }
0x87: {  	[sflag:s14] =	ssyncadd.s32 $0xFFFFC000  }
0x88: {  	_ =	swait.ge [sflag:s18], $0x4000  }
0x89: {  	[sflag:s18] =	ssyncset.done $0x0  }
0x8a: {  	[sflag:s18] =	ssyncadd.s32 $0xFFFFC000  }
0x8b: {  	[tilespmem:s19], [sflag:$0x1] =	stream.indirect.gather [hbm4b:s4+s16], $0x80, s20, s16, $0xb8;
	[tilespmem:$0x1E800] =	vst v63  }
0x8c: {  	_ = 	snop  }
0x8d: {  	[spmem:s2] =	stream.indirect.scatter.add.f32 [tilespmem:s17], [sflag:$0x2], $0x80, s21, s16, $0xb8;
	[tilespmem:$0x1E800] =	vst v63  }
0x8e: {  	_ =	swait.ge [sflag:s14], $0x4000  }
0x8f: {  	[sflag:s14] =	ssyncset.done $0x0  }
0x90: {  	[sflag:s14] =	ssyncadd.s32 $0xFFFFC000  }
0x91: {  	_ =	swait.ge [sflag:s18], $0x4000  }
0x92: {  	[sflag:s18] =	ssyncset.done $0x0  }
0x93: {  	[sflag:s18] =	ssyncadd.s32 $0xFFFFC000  }
0x94: {  	[spmem:s2] =	stream.indirect.scatter.add.f32 [tilespmem:s19], [sflag:$0x2], $0x80, s22, s16, $0xb8;
	[tilespmem:$0x1E800] =	vst v63  }
0x95: {  	_ =	swait.ge [sflag:s14], $0x4000  }
0x96: {  	s23 =	sadd.s32 $0x1, s23;
	[sflag:s14] =	ssyncset.done $0x0  }
0x97: {  	p0 =	sne.s32 s23, s12;
	[sflag:s14] =	ssyncadd.s32 $0xFFFFC000  }
.Ltmp2:
0x98: {  	[bflag:$0x0] =	sbarrier.arrive $0xFFFF;
	(pc) =	sbr.rel @p0 .LBB2_1-.Ltmp2, $4  }
0x99: {  	[hbm:s11], [sflag:s6] =	dma.local [spmem:s13], $0x2800  }
0x9a: {  	_ =	swait.ge [sflag:s14], $0x2800  }
0x9b: {  	[sflag:s14] =	ssyncset.done $0x0  }
0x9c: {  	[sflag:s14] =	ssyncadd.s32 $0xFFFFD800  }
0x9d: {  	_ =	sfence.sel $0x180000  }
0x9e: {  	[bflag:$0x0] =	sbarrier.arrive $0xFFFF  }
0x9f: {  	p0 =	sne.s32 s1, $0x0;
	_ =	strace $0x9000004A  }
0xa0: {  	s0 =	sadd.s32 @!p0 $0x100000, s0;
	[bflag:$0x2] =	sbarrier.arrive $0xFFFF  }
0xa1: {  	[sflag:s0] =	ssyncadd.tile.s32 @!p0 $0x1;
	_ =	shalt  }
.Lfunc_end2:
_tile_overlayer_lowered:
.L_overlay_start_2:
0xa2: {  	(tag) =	ssettag $0x2  }
0xa3: {  	s0 =	rddreg [dreg:$0x0];
	s2 =	stileid.u32  }
0xa4: {  	s1 =	rddreg [dreg:$0x1];
	p0 =	sne.s32 s2, $0x0  }
0xa5: {  	s3 =	rddreg [dreg:$0x2];
	[bflag:$0x3] =	sbarrier.arrive $0xFFFF;
	s2 =	simm.s32 @!p0 $0x1C02  }
0xa6: {  	[timem:s3], [sflag:s2] =	dma.local @!p0 [hbm:s0], s1  }
0xa7: {  	s0 =	simm.s32 @!p0 $0x2  }
0xa8: {  	_ =	swait.ge @!p0 [sflag:s0], s1  }
0xa9: {  	s1 =	ssub.s32 @!p0 $0x0, s1;
	[sflag:s0] =	ssyncset.done @!p0 $0x0  }
0xaa: {  	[sflag:s0] =	ssyncadd.s32 @!p0 s1  }
0xab: {  	[bflag:$0x3] =	sbarrier.arrive $0xFFFF  }
0xac: {  	_ =	shalt  }

// kernel: kernel.14.cloned.1.call-start
scs
__scs_entry_jumppad:
0x0: {  	(pc) =	sbr.rel $0x88, $3  }
0x1: {  	(tag) =	ssettag $0x0;
	lr =	simm.s32 $0x1  }
0x2: {  	[smem:$0x3F99] =	sst lr;
	_ =	strace $0xD0000000  }
0x3: {  	_ = 	snop  }
0x4: {  	_ = 	snop  }
0x5: {  	_ = 	snop  }
0x6: {  	_ = 	snop  }
0x7: {  	_ = 	snop  }
__scs_overlays_trampoline_lowered:
0x8: {  	[smem:$0x3FA8] =	sst s0  }
0x9: {  	[smem:$0x3FA9] =	sst s1  }
0xa: {  	[smem:$0x3FAA] =	sst s2  }
0xb: {  	[smem:$0x3FAB] =	sst s3  }
0xc: {  	[smem:$0x3FAC] =	sst s4  }
0xd: {  	[smem:$0x3FAD] =	sst s5  }
0xe: {  	[smem:$0x3FAE] =	sst s6  }
0xf: {  	[smem:$0x3FAF] =	sst s7  }
0x10: {  	[smem:$0x3FB0] =	sst s8  }
0x11: {  	[smem:$0x3FB1] =	sst s9;
	s0 =	simm.s32 @!p0 $0x0  }
0x12: {  	s1 =	sld [smem:$0x3F97];
	s0 =	simm.s32 @p0 $0x1  }
0x13: {  	[smem:$0x3FB2] =	sst s0;
	s0 =	simm.s32 @!p1 $0x0  }
0x14: {  	s2 =	sld [smem:$0x3F96];
	s0 =	simm.s32 @p1 $0x1  }
0x15: {  	[smem:$0x3FB3] =	sst s0;
	s0 =	simm.s32 @!p2 $0x0  }
0x16: {  	s3 =	sld [smem:$0x3FDB];
	s0 =	simm.s32 @p2 $0x1  }
0x17: {  	s4 =	simm.s32 $0x1BF5;
	[smem:$0x3FB5] =	sst s0  }
0x18: {  	s0 =	sld [smem:$0x3F98];
	_ =	swait.ge [sflag:s4], $0x0  }
0x19: {  	s7 =	sld [smem:$0x3F99]  }
0x1a: {  	s8 =	sadd.s32 $0xFFFFE003, lr  }
0x1b: {  	s9 =	sadd.s32 $0xFFFFFEF7, lr;
	s5 =	simm.s32 $0xFFFFFFFF;
	p2 =	slt.u32 s8, $0xFFFFF086  }
0x1c: {  	p1 =	slt.u32 s9, $0xF7A;
	s5 =	simm.s32 @!p2 $0x0  }
0x1d: {  	s5 =	simm.s32 @p1 $0x1;
	p0 =	seq.s32 s7, s2  }
0x1e: {  	s7 =	smul.u32 @!p0 $0xF7A, s2;
	p2 =	seq.s32 @!p0 s5, $0x0  }
0x1f: {  	s9 =	smul.u32 $0xF7A, s1;
	s8 =	simm.s32 @!p0 $0x1BF5;
	p2 =	por !p2, p0  }
0x20: {  	[sflag:s8] =	ssyncset.s32 @!p0 $0xFFFFF086;
	s6 =	sadd.s32 @!p0 s3, s7;
	s7 =	simm.s32 @!p0 $0x108  }
0x21: {  	s3 =	sadd.s32 s3, s9;
	s6 =	sadd.s32 @!p0 $0x88, s6;
	s7 =	simm.s32 @p2 $0x1082  }
0x22: {  	[simem:s7], [sflag:s8] =	dma.local @!p0 [hbm:s6], $0xF7A  }
0x23: {  	s9 =	sor.u32 $0xD0000000, s2;
	s6 =	simm.s32 $0x108;
	_ =	swait.ge @!p0 [sflag:s8], $0x0  }
0x24: {  	s3 =	sadd.s32 $0x88, s3;
	s6 =	simm.s32 @!p1 $0x1082;
	[sflag:s4] =	ssyncset.s32 $0xFFFFF086  }
0x25: {  	[simem:s6], [sflag:s4] =	dma.local [hbm:s3], $0xF7A  }
0x26: {  	[smem:$0x3F99] =	sst s1;
	(tag) =	ssettag s2;
	_ =	strace s9  }
0x27: {  	s1 =	sld [smem:$0x3FA9]  }
0x28: {  	s2 =	sld [smem:$0x3FAA]  }
0x29: {  	s4 =	sld [smem:$0x3FAC]  }
0x2a: {  	p0 =	seq.s32 s5, $0x0;
	s5 =	sld [smem:$0x3FAD]  }
0x2b: {  	s6 =	sld [smem:$0x3FAE]  }
0x2c: {  	s7 =	sld [smem:$0x3FAF]  }
0x2d: {  	s3 =	simm.s32 $0x108;
	s8 =	sld [smem:$0x3FB0]  }
0x2e: {  	s3 =	simm.s32 @!p0 $0x1082;
	s9 =	sld [smem:$0x3FB1]  }
0x2f: {  	lr =	sadd.s32 s0, s3;
	s0 =	sld [smem:$0x3FA8]  }
0x30: {  	s3 =	sld [smem:$0x3FAB]  }
0x31: {  	[smem:$0x3FB4] =	sst s10  }
0x32: {  	s10 =	sld [smem:$0x3FB2];
	_ =	sdelay $0x3  }
0x33: {  	p0 =	seq.s32 s10, $0x1;
	s10 =	sld [smem:$0x3FB4];
	_ =	sdelay $0x3  }
0x34: {  	[smem:$0x3FB4] =	sst s10  }
0x35: {  	s10 =	sld [smem:$0x3FB3];
	_ =	sdelay $0x3  }
0x36: {  	p1 =	seq.s32 s10, $0x1;
	s10 =	sld [smem:$0x3FB4];
	_ =	sdelay $0x3  }
0x37: {  	[smem:$0x3FB4] =	sst s10  }
0x38: {  	s10 =	sld [smem:$0x3FB5]  }
0x39: {  	_ = 	snop;
	(pc) =	sbr.ind lr, $3  }
0x3a: {  	_ = 	snop  }
0x3b: {  	_ = 	snop  }
0x3c: {  	p2 =	seq.s32 s10, $0x1;
	s10 =	sld [smem:$0x3FB4]  }
0x3d: {  	_ =	shalt  }
0x3e: {  	_ =	shalt  }
0x3f: {  	_ =	shalt  }
0x40: {  	_ =	shalt  }
0x41: {  	_ =	shalt  }
0x42: {  	_ =	shalt  }
0x43: {  	_ =	shalt  }
0x44: {  	_ =	shalt  }
0x45: {  	_ =	shalt  }
0x46: {  	_ =	shalt  }
0x47: {  	_ =	shalt  }
0x48: {  	_ =	shalt  }
0x49: {  	_ =	shalt  }
0x4a: {  	_ =	shalt  }
0x4b: {  	_ =	shalt  }
0x4c: {  	_ =	shalt  }
0x4d: {  	_ =	shalt  }
0x4e: {  	_ =	shalt  }
0x4f: {  	_ =	shalt  }
0x50: {  	_ =	shalt  }
0x51: {  	_ =	shalt  }
0x52: {  	_ =	shalt  }
0x53: {  	_ =	shalt  }
0x54: {  	_ =	shalt  }
0x55: {  	_ =	shalt  }
0x56: {  	_ =	shalt  }
0x57: {  	_ =	shalt  }
0x58: {  	_ =	shalt  }
0x59: {  	_ =	shalt  }
0x5a: {  	_ =	shalt  }
0x5b: {  	_ =	shalt  }
0x5c: {  	_ =	shalt  }
0x5d: {  	_ =	shalt  }
0x5e: {  	_ =	shalt  }
0x5f: {  	_ =	shalt  }
0x60: {  	_ =	shalt  }
0x61: {  	_ =	shalt  }
0x62: {  	_ =	shalt  }
0x63: {  	_ =	shalt  }
0x64: {  	_ =	shalt  }
0x65: {  	_ =	shalt  }
0x66: {  	_ =	shalt  }
0x67: {  	_ =	shalt  }
0x68: {  	_ =	shalt  }
0x69: {  	_ =	shalt  }
0x6a: {  	_ =	shalt  }
0x6b: {  	_ =	shalt  }
0x6c: {  	_ =	shalt  }
0x6d: {  	_ =	shalt  }
0x6e: {  	_ =	shalt  }
0x6f: {  	_ =	shalt  }
0x70: {  	_ =	shalt  }
0x71: {  	_ =	shalt  }
0x72: {  	_ =	shalt  }
0x73: {  	_ =	shalt  }
0x74: {  	_ =	shalt  }
0x75: {  	_ =	shalt  }
0x76: {  	_ =	shalt  }
0x77: {  	_ =	shalt  }
0x78: {  	_ =	shalt  }
0x79: {  	_ =	shalt  }
0x7a: {  	_ =	shalt  }
0x7b: {  	_ =	shalt  }
0x7c: {  	_ =	shalt  }
0x7d: {  	_ =	shalt  }
0x7e: {  	_ =	shalt  }
0x7f: {  	_ =	shalt  }
0x80: {  	_ =	shalt  }
0x81: {  	_ =	shalt  }
0x82: {  	_ =	shalt  }
0x83: {  	_ =	shalt  }
0x84: {  	_ =	shalt  }
0x85: {  	_ =	shalt  }
0x86: {  	_ =	shalt  }
0x87: {  	_ =	shalt  }
.Lfunc_end0:
.L_simem_size_0:
called_computation.2_lowered:
.L_overlay_start_0:
0x88: {  	s2 =	sld [smem:$0x3FD9]  }
0x89: {  	s3 =	sld [smem:$0x3FFE];
	_ =	sdelay $0x1  }
0x8a: {  	s1 =	srdreg.scid  }
0x8b: {  	s0 =	sand.u32 $0x1, s1  }
0x8c: {  	s16 =	sshll.u32 s0, $0xA;
	s2 =	sadd.s32 s3, s2  }
0x8d: {  	s2 =	sadd.s32 s2, s16  }
0x8e: {  	[smem:$0x3FC0] =	sst s2  }
0x8f: {  	_ = 	snop  }
0x90: {  	(tm) =	ssettm $0x1  }
0x91: {  	s17 =	sld [smem:$0x3FFB];
	_ =	sdelay $0x3  }
0x92: {  	_ =	strace s17  }
0x93: {  	s2 =	sld [smem:$0x3FFC];
	_ =	sdelay $0x3  }
0x94: {  	_ =	strace s2  }
0x95: {  	s2 =	sld [smem:$0x3FFD];
	_ =	sdelay $0x3  }
0x96: {  	_ =	strace s2  }
0x97: {  	_ =	strace $0x8FFFFFFF  }
0x98: {  	s18 =	sld [smem:$0x3FDB];
	_ =	sdelay $0x1  }
0x99: {  	s19 =	simm.s32 $_scs_section_size  }
0x9a: {  	s4 =	simm.s32 $_size__tile_overlayer_lowered;
	s5 =	simm.s32 $_tile_overlayer_lowered  }
0x9b: {  	s22 =	simm.s32 $0x1BFF;
	s21 =	sshll.u32 s5, $0x1;
	s2 =	sadd.s32 s19, s18  }
0x9c: {  	s6 =	simm.s32 $0x0;
	s20 =	sshll.u32 s4, $0x1;
	s4 =	sadd.s32 s21, s2  }
0x9d: {  	[timem:s6], [sflag:s22] =	dma.local [hbm:s4], s20  }
0x9e: {  	_ =	swait.ge [sflag:s22], s20  }
0x9f: {  	s3 =	ssub.s32 $0x0, s20;
	[sflag:s22] =	ssyncset.done $0x0  }
0xa0: {  	[sflag:s22] =	ssyncadd.s32 s3;
	_ =	sdelay $0x1  }
0xa1: {  	s23 =	simm.s32 $0x1B8B  }
0xa2: {  	_ =	swait.ge [sflag:s23], $0x1  }
0xa3: {  	[sflag:s23] =	ssyncset.done $0x0  }
0xa4: {  	s25 =	simm.s32 $0x1B8E;
	s24 =	sld [smem:$0x3FFE];
	[sflag:s23] =	ssyncadd.s32 $0xFFFFFFFF  }
0xa5: {  	s26 =	simm.s32 $execute0_lowered;
	[smem:$0x3FD2] =	sst s25  }
0xa6: {  	s4 =	sshll.u32 s26, $0x1;
	_ =	strace $0x8000004C;
	[dreg:$0x1] =	wrdreg $0xFFFFFFFF  }
0xa7: {  	s28 =	simm.s32 $_size_execute0_lowered;
	s2 =	sadd.s32 s2, s4;
	[dreg:$0x0] =	wrdreg $0x0  }
0xa8: {  	s4 =	sshll.u32 s28, $0x1;
	[dreg:$0x2] =	wrdreg s2  }
0xa9: {  	[dreg:$0x3] =	wrdreg s4  }
0xaa: {  	[dreg:$0x4] =	wrdreg $0xC0  }
0xab: {  	_ =	task [dreg:s6], $0x5FFFF  }
0xac: {  	[dreg:$0x1] =	wrdreg $0xFFFFFFFF  }
0xad: {  	[dreg:$0x0] =	wrdreg $0x60  }
0xae: {  	[dreg:$0x2] =	wrdreg s24  }
0xaf: {  	[dreg:$0x3] =	wrdreg $0xA8000  }
0xb0: {  	[dreg:$0x4] =	wrdreg $0x9  }
0xb1: {  	_ =	task.clear_ibuf [dreg:s6], $0x5FFFF;
	_ =	strace $0x9000004C  }
0xb2: {  	s29 =	simm.s32 $0x9;
	_ =	strace $0x8000004E  }
0xb3: {  	_ =	swait.ge [sflag:s29], $0x1  }
0xb4: {  	[sflag:s29] =	ssyncadd.s32 $0xFFFFFFFF  }
0xb5: {  	_ =	strace $0x9000004E  }
0xb6: {  	_ =	sfence  }
0xb7: {  	s30 =	sld [smem:$0x0];
	_ =	sdelay $0x2  }
0xb8: {  	s31 =	sshll.u32 s1, $0xD;
	s1 =	sshrl.u32 s1, $0x2  }
0xb9: {  	s3 =	sand.u32 $0x4000, s31;
	s1 =	sadd.s32 s1, s30  }
0xba: {  	s0 =	sor.u32 s3, s0;
	s1 =	sshll.u32 s1, $0x11  }
0xbb: {  	s0 =	sor.u32 s1, s0  }
0xbc: {  	s0 =	sadd.s32 $0x8F2B, s0  }
0xbd: {  	[sflag:s0] =	ssyncadd.remote.s32 $0x1  }
0xbe: {  	_ =	sfence.sel $0xFFFF  }
0xbf: {  	[dreg:$0x0] =	wrdreg $0xFFFFFFFF;
	(pc) =	sbr.abs _section_cstart, $3  }
0xc0: {  	[dreg:$0x1] =	wrdreg $0xFFFFFFFF  }
0xc1: {  	_ =	task.clear_ibuf [dreg:s6], $0x2FFFF;
	_ =	strace $0x9FFFFFFF  }
0xc2: {  	(tm) =	ssettm $0x7FFFFFFF  }
0xc3: {  	_ =	shalt  }
tec
execute0_lowered:
.L_overlay_start_1:
0x0: {  	(tag) =	ssettag $0x1  }
0x1: {  	s5 =	rddreg [dreg:$0x0]  }
0x2: {  	s2 =	rddreg [dreg:$0x1]  }
0x3: {  	s0 =	rddreg [dreg:$0x2];
	s3 =	simm.s32 $0x0;
	s1 =	stileid.u32  }
0x4: {  	s4 =	srdreg.scid;
	s16 =	simm.s32 $0x80;
	s17 =	simm.s32 $0x2800  }
0x5: {  	s18 =	simm.s32 $0x1;
	s19 =	simm.s32 $0x6800;
	s20 =	simm.s32 $0x1380  }
0x6: {  	s21 =	simm.s32 $0x2700;
	s22 =	simm.s32 $0x2780;
	s23 =	simm.s32 $0x0  }
0x7: {  	[smem:$0x7FF] =	sst s3;
	s6 =	smul.u32 $0x14000, s1;
	s7 =	sand.u32 $0x1, s4  }
0x8: {  	s4 =	sadd.s32 $0x3EA00, s5;
	s9 =	sadd.s32 $0xCA00, s5;
	s11 =	sadd.s32 $0x2A00, s5  }
0x9: {  	s26 =	smul.u32 $0x50000, s1;
	s30 =	sshll.u32 s1, $0x6;
	_ =	strace $0x8000004D  }
0xa: {  	s8 =	smul.u32 $0x140000, s7;
	s12 =	sshll.u32 s7, $0x4;
	s28 =	ssub.s32 $0x2, s7  }
0xb: {  	s10 =	sshrl.u32 s6, $0x3;
	s29 =	sor.u32 s1, s12;
	s7 =	sshrl.u32 s28, $0x1  }
0xc: {  	s10 =	sadd.s32 s10, s5;
	s6 =	sadd.s32 s6, s8;
	s8 =	sshrl.u32 s26, $0x2  }
0xd: {  	s12 =	smul.u32 $0x2800, s29;
	s14 =	ssub.s32 s28, s7;
	s6 =	sshrl.u32 s6, $0x3  }
0xe: {  	s15 =	sadd.s32 s8, s2;
	s13 =	sadd.s32 s6, s5;
	s5 =	sadd.s32 $0x16A00, s10  }
0xf: {  	s6 =	sor.u32 $0x1C02, s30;
	s31 =	sshrl.u32 s12, $0x3;
	s12 =	smax.u32 s14, $0x1  }
0x10: {  	s14 =	simm.s32 $0x2;
	s7 =	sadd.s32 s9, s31;
	s10 =	sadd.s32 $0x280, s31  }
0x11: {  	s8 =	sadd.s32 s11, s31;
	s9 =	sadd.s32 s9, s10;
	s10 =	sadd.s32 s11, s10  }
0x12: {  	s11 =	sadd.s32 $0x65C00, s13;
	s13 =	sshrl.u32 s15, $0x3;
	s15 =	simm.s32 $0x1400  }
.LBB2_1:
0x13: {  	[spmem:s13], [sflag:s6] =	dma.local [hbm:s5], $0x2800  }
0x14: {  	_ =	swait.ge [sflag:s14], $0x2800  }
0x15: {  	[sflag:s14] =	ssyncset.done $0x0  }
0x16: {  	[sflag:s14] =	ssyncadd.s32 $0xFFFFD800  }
0x17: {  	[bflag:$0x0] =	sbarrier.arrive $0xFFFF  }
0x18: {  	[tilespmem:s3], [sflag:$0x2] =	stream.linear.gather [hbm4b:s7+s3], $0x1400, $0x38;
	[tilespmem:$0x1E800] =	vst v63  }
0x19: {  	_ =	swait.ge [sflag:s14], $0x1400  }
0x1a: {  	[sflag:s14] =	ssyncset.done $0x0  }
0x1b: {  	[sflag:s14] =	ssyncadd.s32 $0xFFFFEC00  }
0x1c: {  	[tilespmem:s15], [sflag:$0x2] =	stream.linear.gather [hbm4b:s8+s3], $0x1400, $0x38;
	[tilespmem:$0x1E800] =	vst v63  }
0x1d: {  	_ =	swait.ge [sflag:s14], $0x1400  }
0x1e: {  	[sflag:s14] =	ssyncset.done $0x0  }
0x1f: {  	[sflag:s14] =	ssyncadd.s32 $0xFFFFEC00  }
0x20: {  	[tilespmem:s17], [sflag:$0x1] =	stream.indirect.gather [hbm4b:s4+s16], $0x80, s3, s16, $0xb8;
	[tilespmem:$0x1E800] =	vst v63  }
0x21: {  	_ =	swait.ge [sflag:s18], $0x4000  }
0x22: {  	[sflag:s18] =	ssyncset.done $0x0  }
0x23: {  	s24 =	simm.s32 $0x80;
	[sflag:s18] =	ssyncadd.s32 $0xFFFFC000  }
0x24: {  	[tilespmem:s19], [sflag:$0x1] =	stream.indirect.gather [hbm4b:s4+s16], $0x80, s24, s16, $0xb8;
	[tilespmem:$0x1E800] =	vst v63  }
0x25: {  	s29 =	simm.s32 $0x1400  }
0x26: {  	[spmem:s2] =	stream.indirect.scatter.add.f32 [tilespmem:s17], [sflag:$0x2], $0x80, s29, s16, $0xb8;
	[tilespmem:$0x1E800] =	vst v63  }
0x27: {  	_ =	swait.ge [sflag:s14], $0x4000  }
0x28: {  	[sflag:s14] =	ssyncset.done $0x0  }
0x29: {  	[sflag:s14] =	ssyncadd.s32 $0xFFFFC000  }
0x2a: {  	_ =	swait.ge [sflag:s18], $0x4000  }
0x2b: {  	[sflag:s18] =	ssyncset.done $0x0  }
0x2c: {  	s30 =	simm.s32 $0x100;
	[sflag:s18] =	ssyncadd.s32 $0xFFFFC000  }
0x2d: {  	[tilespmem:s17], [sflag:$0x1] =	stream.indirect.gather [hbm4b:s4+s16], $0x80, s30, s16, $0xb8;
	[tilespmem:$0x1E800] =	vst v63  }
0x2e: {  	s31 =	simm.s32 $0x1480  }
0x2f: {  	[spmem:s2] =	stream.indirect.scatter.add.f32 [tilespmem:s19], [sflag:$0x2], $0x80, s31, s16, $0xb8;
	[tilespmem:$0x1E800] =	vst v63  }
0x30: {  	_ =	swait.ge [sflag:s14], $0x4000  }
0x31: {  	s24 =	simm.s32 $0x400;
	[sflag:s14] =	ssyncset.done $0x0  }
.LBB2_2:
0x32: {  	p0 =	sne.s32 s24, $0x4800  }
0x33: {  	[sflag:s14] =	ssyncadd.s32 $0xFFFFC000;
	s25 =	smov.u32 s24;
	s24 =	sadd.s32 $0x400, s24  }
0x34: {  	_ = 	snop  }
0x35: {  	_ =	swait.ge [sflag:s18], $0x4000  }
0x36: {  	s25 =	sshra.s32 s25, $0x2;
	[sflag:s18] =	ssyncset.done $0x0  }
0x37: {  	s26 =	sadd.s32 $0x80, s25;
	[sflag:s18] =	ssyncadd.s32 $0xFFFFC000  }
0x38: {  	[tilespmem:s19], [sflag:$0x1] =	stream.indirect.gather [hbm4b:s4+s16], $0x80, s26, s16, $0xb8;
	[tilespmem:$0x1E800] =	vst v63  }
0x39: {  	s26 =	sadd.s32 $0x1400, s25  }
0x3a: {  	[spmem:s2] =	stream.indirect.scatter.add.f32 [tilespmem:s17], [sflag:$0x2], $0x80, s26, s16, $0xb8;
	[tilespmem:$0x1E800] =	vst v63  }
0x3b: {  	_ =	swait.ge [sflag:s14], $0x4000  }
0x3c: {  	[sflag:s14] =	ssyncset.done $0x0  }
0x3d: {  	[sflag:s14] =	ssyncadd.s32 $0xFFFFC000  }
0x3e: {  	_ =	swait.ge [sflag:s18], $0x4000  }
0x3f: {  	[sflag:s18] =	ssyncset.done $0x0  }
0x40: {  	s26 =	sadd.s32 $0x100, s25;
	[sflag:s18] =	ssyncadd.s32 $0xFFFFC000  }
0x41: {  	[tilespmem:s17], [sflag:$0x1] =	stream.indirect.gather [hbm4b:s4+s16], $0x80, s26, s16, $0xb8;
	[tilespmem:$0x1E800] =	vst v63  }
.Ltmp0:
0x42: {  	_ = 	snop;
	(pc) =	sbr.rel @p0 .LBB2_2-.Ltmp0, $4  }
0x43: {  	s25 =	sadd.s32 $0x1480, s25  }
0x44: {  	[spmem:s2] =	stream.indirect.scatter.add.f32 [tilespmem:s19], [sflag:$0x2], $0x80, s25, s16, $0xb8;
	[tilespmem:$0x1E800] =	vst v63  }
0x45: {  	_ =	swait.ge [sflag:s14], $0x4000  }
0x46: {  	[sflag:s14] =	ssyncset.done $0x0  }
0x47: {  	[sflag:s14] =	ssyncadd.s32 $0xFFFFC000  }
0x48: {  	_ =	swait.ge [sflag:s18], $0x4000  }
0x49: {  	[sflag:s18] =	ssyncset.done $0x0  }
0x4a: {  	[sflag:s18] =	ssyncadd.s32 $0xFFFFC000  }
0x4b: {  	[tilespmem:s19], [sflag:$0x1] =	stream.indirect.gather [hbm4b:s4+s16], $0x80, s20, s16, $0xb8;
	[tilespmem:$0x1E800] =	vst v63  }
0x4c: {  	_ = 	snop  }
0x4d: {  	[spmem:s2] =	stream.indirect.scatter.add.f32 [tilespmem:s17], [sflag:$0x2], $0x80, s21, s16, $0xb8;
	[tilespmem:$0x1E800] =	vst v63  }
0x4e: {  	_ =	swait.ge [sflag:s14], $0x4000  }
0x4f: {  	[sflag:s14] =	ssyncset.done $0x0  }
0x50: {  	[sflag:s14] =	ssyncadd.s32 $0xFFFFC000  }
0x51: {  	_ =	swait.ge [sflag:s18], $0x4000  }
0x52: {  	[sflag:s18] =	ssyncset.done $0x0  }
0x53: {  	[sflag:s18] =	ssyncadd.s32 $0xFFFFC000  }
0x54: {  	[spmem:s2] =	stream.indirect.scatter.add.f32 [tilespmem:s19], [sflag:$0x2], $0x80, s22, s16, $0xb8;
	[tilespmem:$0x1E800] =	vst v63  }
0x55: {  	_ =	swait.ge [sflag:s14], $0x4000  }
0x56: {  	[sflag:s14] =	ssyncset.done $0x0  }
0x57: {  	s24 =	simm.s32 $0x0;
	[sflag:s14] =	ssyncadd.s32 $0xFFFFC000  }
0x58: {  	[tilespmem:s24], [sflag:$0x2] =	stream.linear.gather [hbm4b:s9+s24], $0x1400, $0x38;
	[tilespmem:$0x1E800] =	vst v63  }
0x59: {  	_ =	swait.ge [sflag:s14], $0x1400  }
0x5a: {  	[sflag:s14] =	ssyncset.done $0x0  }
0x5b: {  	[sflag:s14] =	ssyncadd.s32 $0xFFFFEC00  }
0x5c: {  	[tilespmem:s15], [sflag:$0x2] =	stream.linear.gather [hbm4b:s10+s24], $0x1400, $0x38;
	[tilespmem:$0x1E800] =	vst v63  }
0x5d: {  	_ =	swait.ge [sflag:s14], $0x1400  }
0x5e: {  	[sflag:s14] =	ssyncset.done $0x0  }
0x5f: {  	[sflag:s14] =	ssyncadd.s32 $0xFFFFEC00  }
0x60: {  	[tilespmem:s17], [sflag:$0x1] =	stream.indirect.gather [hbm4b:s4+s16], $0x80, s24, s16, $0xb8;
	[tilespmem:$0x1E800] =	vst v63  }
0x61: {  	_ =	swait.ge [sflag:s18], $0x4000  }
0x62: {  	[sflag:s18] =	ssyncset.done $0x0  }
0x63: {  	s28 =	simm.s32 $0x80;
	[sflag:s18] =	ssyncadd.s32 $0xFFFFC000  }
0x64: {  	[tilespmem:s19], [sflag:$0x1] =	stream.indirect.gather [hbm4b:s4+s16], $0x80, s28, s16, $0xb8;
	[tilespmem:$0x1E800] =	vst v63  }
0x65: {  	s29 =	simm.s32 $0x1400  }
0x66: {  	[spmem:s2] =	stream.indirect.scatter.add.f32 [tilespmem:s17], [sflag:$0x2], $0x80, s29, s16, $0xb8;
	[tilespmem:$0x1E800] =	vst v63  }
0x67: {  	_ =	swait.ge [sflag:s14], $0x4000  }
0x68: {  	[sflag:s14] =	ssyncset.done $0x0  }
0x69: {  	[sflag:s14] =	ssyncadd.s32 $0xFFFFC000  }
0x6a: {  	_ =	swait.ge [sflag:s18], $0x4000  }
0x6b: {  	[sflag:s18] =	ssyncset.done $0x0  }
0x6c: {  	s30 =	simm.s32 $0x100;
	[sflag:s18] =	ssyncadd.s32 $0xFFFFC000  }
0x6d: {  	[tilespmem:s17], [sflag:$0x1] =	stream.indirect.gather [hbm4b:s4+s16], $0x80, s30, s16, $0xb8;
	[tilespmem:$0x1E800] =	vst v63  }
0x6e: {  	s31 =	simm.s32 $0x1480  }
0x6f: {  	[spmem:s2] =	stream.indirect.scatter.add.f32 [tilespmem:s19], [sflag:$0x2], $0x80, s31, s16, $0xb8;
	[tilespmem:$0x1E800] =	vst v63  }
0x70: {  	_ =	swait.ge [sflag:s14], $0x4000  }
0x71: {  	s24 =	simm.s32 $0x400;
	[sflag:s14] =	ssyncset.done $0x0  }
.LBB2_4:
0x72: {  	p0 =	sne.s32 s24, $0x4800  }
0x73: {  	[sflag:s14] =	ssyncadd.s32 $0xFFFFC000;
	s25 =	smov.u32 s24;
	s24 =	sadd.s32 $0x400, s24  }
0x74: {  	_ = 	snop  }
0x75: {  	_ =	swait.ge [sflag:s18], $0x4000  }
0x76: {  	s25 =	sshra.s32 s25, $0x2;
	[sflag:s18] =	ssyncset.done $0x0  }
0x77: {  	s26 =	sadd.s32 $0x80, s25;
	[sflag:s18] =	ssyncadd.s32 $0xFFFFC000  }
0x78: {  	[tilespmem:s19], [sflag:$0x1] =	stream.indirect.gather [hbm4b:s4+s16], $0x80, s26, s16, $0xb8;
	[tilespmem:$0x1E800] =	vst v63  }
0x79: {  	s26 =	sadd.s32 $0x1400, s25  }
0x7a: {  	[spmem:s2] =	stream.indirect.scatter.add.f32 [tilespmem:s17], [sflag:$0x2], $0x80, s26, s16, $0xb8;
	[tilespmem:$0x1E800] =	vst v63  }
0x7b: {  	_ =	swait.ge [sflag:s14], $0x4000  }
0x7c: {  	[sflag:s14] =	ssyncset.done $0x0  }
0x7d: {  	[sflag:s14] =	ssyncadd.s32 $0xFFFFC000  }
0x7e: {  	_ =	swait.ge [sflag:s18], $0x4000  }
0x7f: {  	[sflag:s18] =	ssyncset.done $0x0  }
0x80: {  	s26 =	sadd.s32 $0x100, s25;
	[sflag:s18] =	ssyncadd.s32 $0xFFFFC000  }
0x81: {  	[tilespmem:s17], [sflag:$0x1] =	stream.indirect.gather [hbm4b:s4+s16], $0x80, s26, s16, $0xb8;
	[tilespmem:$0x1E800] =	vst v63  }
.Ltmp1:
0x82: {  	_ = 	snop;
	(pc) =	sbr.rel @p0 .LBB2_4-.Ltmp1, $4  }
0x83: {  	s25 =	sadd.s32 $0x1480, s25  }
0x84: {  	[spmem:s2] =	stream.indirect.scatter.add.f32 [tilespmem:s19], [sflag:$0x2], $0x80, s25, s16, $0xb8;
	[tilespmem:$0x1E800] =	vst v63  }
0x85: {  	_ =	swait.ge [sflag:s14], $0x4000  }
0x86: {  	[sflag:s14] =	ssyncset.done $0x0  }
0x87: {  	[sflag:s14] =	ssyncadd.s32 $0xFFFFC000  }
0x88: {  	_ =	swait.ge [sflag:s18], $0x4000  }
0x89: {  	[sflag:s18] =	ssyncset.done $0x0  }
0x8a: {  	[sflag:s18] =	ssyncadd.s32 $0xFFFFC000  }
0x8b: {  	[tilespmem:s19], [sflag:$0x1] =	stream.indirect.gather [hbm4b:s4+s16], $0x80, s20, s16, $0xb8;
	[tilespmem:$0x1E800] =	vst v63  }
0x8c: {  	_ = 	snop  }
0x8d: {  	[spmem:s2] =	stream.indirect.scatter.add.f32 [tilespmem:s17], [sflag:$0x2], $0x80, s21, s16, $0xb8;
	[tilespmem:$0x1E800] =	vst v63  }
0x8e: {  	_ =	swait.ge [sflag:s14], $0x4000  }
0x8f: {  	[sflag:s14] =	ssyncset.done $0x0  }
0x90: {  	[sflag:s14] =	ssyncadd.s32 $0xFFFFC000  }
0x91: {  	_ =	swait.ge [sflag:s18], $0x4000  }
0x92: {  	[sflag:s18] =	ssyncset.done $0x0  }
0x93: {  	[sflag:s18] =	ssyncadd.s32 $0xFFFFC000  }
0x94: {  	[spmem:s2] =	stream.indirect.scatter.add.f32 [tilespmem:s19], [sflag:$0x2], $0x80, s22, s16, $0xb8;
	[tilespmem:$0x1E800] =	vst v63  }
0x95: {  	_ =	swait.ge [sflag:s14], $0x4000  }
0x96: {  	s23 =	sadd.s32 $0x1, s23;
	[sflag:s14] =	ssyncset.done $0x0  }
0x97: {  	p0 =	sne.s32 s23, s12;
	[sflag:s14] =	ssyncadd.s32 $0xFFFFC000  }
.Ltmp2:
0x98: {  	[bflag:$0x0] =	sbarrier.arrive $0xFFFF;
	(pc) =	sbr.rel @p0 .LBB2_1-.Ltmp2, $4  }
0x99: {  	[hbm:s11], [sflag:s6] =	dma.local [spmem:s13], $0x2800  }
0x9a: {  	_ =	swait.ge [sflag:s14], $0x2800  }
0x9b: {  	[sflag:s14] =	ssyncset.done $0x0  }
0x9c: {  	[sflag:s14] =	ssyncadd.s32 $0xFFFFD800  }
0x9d: {  	_ =	sfence.sel $0x180000  }
0x9e: {  	[bflag:$0x0] =	sbarrier.arrive $0xFFFF  }
0x9f: {  	p0 =	sne.s32 s1, $0x0;
	_ =	strace $0x9000004D  }
0xa0: {  	s0 =	sadd.s32 @!p0 $0x100000, s0;
	[bflag:$0x2] =	sbarrier.arrive $0xFFFF  }
0xa1: {  	[sflag:s0] =	ssyncadd.tile.s32 @!p0 $0x1;
	_ =	shalt  }
.Lfunc_end2:
_tile_overlayer_lowered:
.L_overlay_start_2:
0xa2: {  	(tag) =	ssettag $0x2  }
0xa3: {  	s0 =	rddreg [dreg:$0x0];
	s2 =	stileid.u32  }
0xa4: {  	s1 =	rddreg [dreg:$0x1];
	p0 =	sne.s32 s2, $0x0  }
0xa5: {  	s3 =	rddreg [dreg:$0x2];
	[bflag:$0x3] =	sbarrier.arrive $0xFFFF;
	s2 =	simm.s32 @!p0 $0x1C02  }
0xa6: {  	[timem:s3], [sflag:s2] =	dma.local @!p0 [hbm:s0], s1  }
0xa7: {  	s0 =	simm.s32 @!p0 $0x2  }
0xa8: {  	_ =	swait.ge @!p0 [sflag:s0], s1  }
0xa9: {  	s1 =	ssub.s32 @!p0 $0x0, s1;
	[sflag:s0] =	ssyncset.done @!p0 $0x0  }
0xaa: {  	[sflag:s0] =	ssyncadd.s32 @!p0 s1  }
0xab: {  	[bflag:$0x3] =	sbarrier.arrive $0xFFFF  }
0xac: {  	_ =	shalt  }

// kernel: kernel.8.cloned.1.call-start
scs
__scs_entry_jumppad:
0x0: {  	(pc) =	sbr.rel $0x88, $3  }
0x1: {  	(tag) =	ssettag $0x0;
	lr =	simm.s32 $0x1  }
0x2: {  	[smem:$0x3F99] =	sst lr;
	_ =	strace $0xD0000000  }
0x3: {  	_ = 	snop  }
0x4: {  	_ = 	snop  }
0x5: {  	_ = 	snop  }
0x6: {  	_ = 	snop  }
0x7: {  	_ = 	snop  }
__scs_overlays_trampoline_lowered:
0x8: {  	[smem:$0x3FA8] =	sst s0  }
0x9: {  	[smem:$0x3FA9] =	sst s1  }
0xa: {  	[smem:$0x3FAA] =	sst s2  }
0xb: {  	[smem:$0x3FAB] =	sst s3  }
0xc: {  	[smem:$0x3FAC] =	sst s4  }
0xd: {  	[smem:$0x3FAD] =	sst s5  }
0xe: {  	[smem:$0x3FAE] =	sst s6  }
0xf: {  	[smem:$0x3FAF] =	sst s7  }
0x10: {  	[smem:$0x3FB0] =	sst s8  }
0x11: {  	[smem:$0x3FB1] =	sst s9;
	s0 =	simm.s32 @!p0 $0x0  }
0x12: {  	s1 =	sld [smem:$0x3F97];
	s0 =	simm.s32 @p0 $0x1  }
0x13: {  	[smem:$0x3FB2] =	sst s0;
	s0 =	simm.s32 @!p1 $0x0  }
0x14: {  	s2 =	sld [smem:$0x3F96];
	s0 =	simm.s32 @p1 $0x1  }
0x15: {  	[smem:$0x3FB3] =	sst s0;
	s0 =	simm.s32 @!p2 $0x0  }
0x16: {  	s3 =	sld [smem:$0x3FDB];
	s0 =	simm.s32 @p2 $0x1  }
0x17: {  	s4 =	simm.s32 $0x1BF5;
	[smem:$0x3FB5] =	sst s0  }
0x18: {  	s0 =	sld [smem:$0x3F98];
	_ =	swait.ge [sflag:s4], $0x0  }
0x19: {  	s7 =	sld [smem:$0x3F99]  }
0x1a: {  	s8 =	sadd.s32 $0xFFFFE003, lr  }
0x1b: {  	s9 =	sadd.s32 $0xFFFFFEF7, lr;
	s5 =	simm.s32 $0xFFFFFFFF;
	p2 =	slt.u32 s8, $0xFFFFF086  }
0x1c: {  	p1 =	slt.u32 s9, $0xF7A;
	s5 =	simm.s32 @!p2 $0x0  }
0x1d: {  	s5 =	simm.s32 @p1 $0x1;
	p0 =	seq.s32 s7, s2  }
0x1e: {  	s7 =	smul.u32 @!p0 $0xF7A, s2;
	p2 =	seq.s32 @!p0 s5, $0x0  }
0x1f: {  	s9 =	smul.u32 $0xF7A, s1;
	s8 =	simm.s32 @!p0 $0x1BF5;
	p2 =	por !p2, p0  }
0x20: {  	[sflag:s8] =	ssyncset.s32 @!p0 $0xFFFFF086;
	s6 =	sadd.s32 @!p0 s3, s7;
	s7 =	simm.s32 @!p0 $0x108  }
0x21: {  	s3 =	sadd.s32 s3, s9;
	s6 =	sadd.s32 @!p0 $0x88, s6;
	s7 =	simm.s32 @p2 $0x1082  }
0x22: {  	[simem:s7], [sflag:s8] =	dma.local @!p0 [hbm:s6], $0xF7A  }
0x23: {  	s9 =	sor.u32 $0xD0000000, s2;
	s6 =	simm.s32 $0x108;
	_ =	swait.ge @!p0 [sflag:s8], $0x0  }
0x24: {  	s3 =	sadd.s32 $0x88, s3;
	s6 =	simm.s32 @!p1 $0x1082;
	[sflag:s4] =	ssyncset.s32 $0xFFFFF086  }
0x25: {  	[simem:s6], [sflag:s4] =	dma.local [hbm:s3], $0xF7A  }
0x26: {  	[smem:$0x3F99] =	sst s1;
	(tag) =	ssettag s2;
	_ =	strace s9  }
0x27: {  	s1 =	sld [smem:$0x3FA9]  }
0x28: {  	s2 =	sld [smem:$0x3FAA]  }
0x29: {  	s4 =	sld [smem:$0x3FAC]  }
0x2a: {  	p0 =	seq.s32 s5, $0x0;
	s5 =	sld [smem:$0x3FAD]  }
0x2b: {  	s6 =	sld [smem:$0x3FAE]  }
0x2c: {  	s7 =	sld [smem:$0x3FAF]  }
0x2d: {  	s3 =	simm.s32 $0x108;
	s8 =	sld [smem:$0x3FB0]  }
0x2e: {  	s3 =	simm.s32 @!p0 $0x1082;
	s9 =	sld [smem:$0x3FB1]  }
0x2f: {  	lr =	sadd.s32 s0, s3;
	s0 =	sld [smem:$0x3FA8]  }
0x30: {  	s3 =	sld [smem:$0x3FAB]  }
0x31: {  	[smem:$0x3FB4] =	sst s10  }
0x32: {  	s10 =	sld [smem:$0x3FB2];
	_ =	sdelay $0x3  }
0x33: {  	p0 =	seq.s32 s10, $0x1;
	s10 =	sld [smem:$0x3FB4];
	_ =	sdelay $0x3  }
0x34: {  	[smem:$0x3FB4] =	sst s10  }
0x35: {  	s10 =	sld [smem:$0x3FB3];
	_ =	sdelay $0x3  }
0x36: {  	p1 =	seq.s32 s10, $0x1;
	s10 =	sld [smem:$0x3FB4];
	_ =	sdelay $0x3  }
0x37: {  	[smem:$0x3FB4] =	sst s10  }
0x38: {  	s10 =	sld [smem:$0x3FB5]  }
0x39: {  	_ = 	snop;
	(pc) =	sbr.ind lr, $3  }
0x3a: {  	_ = 	snop  }
0x3b: {  	_ = 	snop  }
0x3c: {  	p2 =	seq.s32 s10, $0x1;
	s10 =	sld [smem:$0x3FB4]  }
0x3d: {  	_ =	shalt  }
0x3e: {  	_ =	shalt  }
0x3f: {  	_ =	shalt  }
0x40: {  	_ =	shalt  }
0x41: {  	_ =	shalt  }
0x42: {  	_ =	shalt  }
0x43: {  	_ =	shalt  }
0x44: {  	_ =	shalt  }
0x45: {  	_ =	shalt  }
0x46: {  	_ =	shalt  }
0x47: {  	_ =	shalt  }
0x48: {  	_ =	shalt  }
0x49: {  	_ =	shalt  }
0x4a: {  	_ =	shalt  }
0x4b: {  	_ =	shalt  }
0x4c: {  	_ =	shalt  }
0x4d: {  	_ =	shalt  }
0x4e: {  	_ =	shalt  }
0x4f: {  	_ =	shalt  }
0x50: {  	_ =	shalt  }
0x51: {  	_ =	shalt  }
0x52: {  	_ =	shalt  }
0x53: {  	_ =	shalt  }
0x54: {  	_ =	shalt  }
0x55: {  	_ =	shalt  }
0x56: {  	_ =	shalt  }
0x57: {  	_ =	shalt  }
0x58: {  	_ =	shalt  }
0x59: {  	_ =	shalt  }
0x5a: {  	_ =	shalt  }
0x5b: {  	_ =	shalt  }
0x5c: {  	_ =	shalt  }
0x5d: {  	_ =	shalt  }
0x5e: {  	_ =	shalt  }
0x5f: {  	_ =	shalt  }
0x60: {  	_ =	shalt  }
0x61: {  	_ =	shalt  }
0x62: {  	_ =	shalt  }
0x63: {  	_ =	shalt  }
0x64: {  	_ =	shalt  }
0x65: {  	_ =	shalt  }
0x66: {  	_ =	shalt  }
0x67: {  	_ =	shalt  }
0x68: {  	_ =	shalt  }
0x69: {  	_ =	shalt  }
0x6a: {  	_ =	shalt  }
0x6b: {  	_ =	shalt  }
0x6c: {  	_ =	shalt  }
0x6d: {  	_ =	shalt  }
0x6e: {  	_ =	shalt  }
0x6f: {  	_ =	shalt  }
0x70: {  	_ =	shalt  }
0x71: {  	_ =	shalt  }
0x72: {  	_ =	shalt  }
0x73: {  	_ =	shalt  }
0x74: {  	_ =	shalt  }
0x75: {  	_ =	shalt  }
0x76: {  	_ =	shalt  }
0x77: {  	_ =	shalt  }
0x78: {  	_ =	shalt  }
0x79: {  	_ =	shalt  }
0x7a: {  	_ =	shalt  }
0x7b: {  	_ =	shalt  }
0x7c: {  	_ =	shalt  }
0x7d: {  	_ =	shalt  }
0x7e: {  	_ =	shalt  }
0x7f: {  	_ =	shalt  }
0x80: {  	_ =	shalt  }
0x81: {  	_ =	shalt  }
0x82: {  	_ =	shalt  }
0x83: {  	_ =	shalt  }
0x84: {  	_ =	shalt  }
0x85: {  	_ =	shalt  }
0x86: {  	_ =	shalt  }
0x87: {  	_ =	shalt  }
.Lfunc_end0:
.L_simem_size_0:
called_computation_lowered:
.L_overlay_start_0:
0x88: {  	s2 =	sld [smem:$0x3FD9]  }
0x89: {  	s3 =	sld [smem:$0x3FFE];
	_ =	sdelay $0x1  }
0x8a: {  	s1 =	srdreg.scid  }
0x8b: {  	s0 =	sand.u32 $0x1, s1  }
0x8c: {  	s17 =	sshll.u32 s0, $0xA;
	s2 =	sadd.s32 s3, s2  }
0x8d: {  	s2 =	sadd.s32 s2, s17  }
0x8e: {  	[smem:$0x3FC0] =	sst s2  }
0x8f: {  	_ = 	snop  }
0x90: {  	s2 =	sld [smem:$0x3FD0];
	(tm) =	ssettm $0x1  }
0x91: {  	s18 =	sld [smem:$0x3FFB];
	_ =	sdelay $0x3  }
0x92: {  	_ =	strace s18  }
0x93: {  	s3 =	sld [smem:$0x3FFC];
	_ =	sdelay $0x3  }
0x94: {  	_ =	strace s3  }
0x95: {  	s3 =	sld [smem:$0x3FFD];
	_ =	sdelay $0x3  }
0x96: {  	_ =	strace s3  }
0x97: {  	_ =	strace $0x8FFFFFFF  }
0x98: {  	s19 =	sld [smem:$0x3FDB];
	_ =	sdelay $0x1  }
0x99: {  	s4 =	simm.s32 $_scs_section_size  }
0x9a: {  	s5 =	simm.s32 $_size__tile_overlayer_lowered;
	s6 =	simm.s32 $_tile_overlayer_lowered  }
0x9b: {  	s22 =	simm.s32 $0x1BFF;
	s21 =	sshll.u32 s6, $0x1;
	s3 =	sadd.s32 s4, s19  }
0x9c: {  	s7 =	simm.s32 $0x0;
	s20 =	sshll.u32 s5, $0x1;
	s5 =	sadd.s32 s21, s3  }
0x9d: {  	[timem:s7], [sflag:s22] =	dma.local [hbm:s5], s20  }
0x9e: {  	_ =	swait.ge [sflag:s22], s20  }
0x9f: {  	s4 =	ssub.s32 $0x0, s20;
	[sflag:s22] =	ssyncset.done $0x0  }
0xa0: {  	[sflag:s22] =	ssyncadd.s32 s4;
	_ =	sdelay $0x1  }
0xa1: {  	s23 =	simm.s32 $0x1B8B  }
0xa2: {  	_ =	swait.ge [sflag:s23], $0x1  }
0xa3: {  	[sflag:s23] =	ssyncset.done $0x0  }
0xa4: {  	s25 =	simm.s32 $0x1B8E;
	s24 =	sld [smem:$0x3FFE];
	[sflag:s23] =	ssyncadd.s32 $0xFFFFFFFF  }
0xa5: {  	s26 =	simm.s32 $execute0_lowered;
	[smem:$0x3FD2] =	sst s25  }
0xa6: {  	s5 =	sshll.u32 s26, $0x1;
	_ =	strace $0x80000046;
	[dreg:$0x1] =	wrdreg $0xFFFFFFFF  }
0xa7: {  	s28 =	simm.s32 $_size_execute0_lowered;
	s3 =	sadd.s32 s3, s5;
	[dreg:$0x0] =	wrdreg $0x0  }
0xa8: {  	s5 =	sshll.u32 s28, $0x1;
	[dreg:$0x2] =	wrdreg s3  }
0xa9: {  	[dreg:$0x3] =	wrdreg s5  }
0xaa: {  	[dreg:$0x4] =	wrdreg $0xC0  }
0xab: {  	_ =	task [dreg:s7], $0x5FFFF  }
0xac: {  	[dreg:$0x1] =	wrdreg $0xFFFFFFFF  }
0xad: {  	[dreg:$0x0] =	wrdreg $0x60  }
0xae: {  	[dreg:$0x2] =	wrdreg s24  }
0xaf: {  	[dreg:$0x3] =	wrdreg s2  }
0xb0: {  	[dreg:$0x4] =	wrdreg $0x68000  }
0xb1: {  	[dreg:$0x5] =	wrdreg $0x9  }
0xb2: {  	_ =	task.clear_ibuf [dreg:s7], $0x6FFFF;
	_ =	strace $0x90000046  }
0xb3: {  	s29 =	simm.s32 $0x9;
	_ =	strace $0x80000048  }
0xb4: {  	_ =	swait.ge [sflag:s29], $0x1  }
0xb5: {  	[sflag:s29] =	ssyncadd.s32 $0xFFFFFFFF  }
0xb6: {  	_ =	strace $0x90000048  }
0xb7: {  	_ =	sfence  }
0xb8: {  	s30 =	sld [smem:$0x0];
	_ =	sdelay $0x2  }
0xb9: {  	s31 =	sshll.u32 s1, $0xD;
	s1 =	sshrl.u32 s1, $0x2  }
0xba: {  	s3 =	sand.u32 $0x4000, s31;
	s1 =	sadd.s32 s1, s30  }
0xbb: {  	s0 =	sor.u32 s3, s0;
	s1 =	sshll.u32 s1, $0x11  }
0xbc: {  	s0 =	sor.u32 s1, s0  }
0xbd: {  	s0 =	sadd.s32 $0x8F2B, s0  }
0xbe: {  	[sflag:s0] =	ssyncadd.remote.s32 $0x1  }
0xbf: {  	_ =	sfence.sel $0xFFFF  }
0xc0: {  	[dreg:$0x0] =	wrdreg $0xFFFFFFFF;
	(pc) =	sbr.abs _section_cstart, $3  }
0xc1: {  	[dreg:$0x1] =	wrdreg $0xFFFFFFFF  }
0xc2: {  	_ =	task.clear_ibuf [dreg:s7], $0x2FFFF;
	_ =	strace $0x9FFFFFFF  }
0xc3: {  	(tm) =	ssettm $0x7FFFFFFF  }
tec
execute0_lowered:
.L_overlay_start_1:
0x0: {  	(tag) =	ssettag $0x1  }
0x1: {  	s6 =	rddreg [dreg:$0x0]  }
0x2: {  	s0 =	srdreg.scid;
	s2 =	rddreg [dreg:$0x1]  }
0x3: {  	s3 =	rddreg [dreg:$0x2];
	s4 =	simm.s32 $0x0;
	s13 =	simm.s32 $0x80  }
0x4: {  	s14 =	simm.s32 $0x1;
	s5 =	sand.u32 $0x1, s0;
	s0 =	stileid.u32  }
0x5: {  	s15 =	simm.s32 $0x0;
	[smem:$0x7FF] =	sst s4;
	s8 =	smul.u32 $0x14000, s0  }
0x6: {  	s1 =	sshll.u32 s5, $0x4;
	s9 =	smul.u32 $0x140000, s5;
	s5 =	ssub.s32 $0x2, s5  }
0x7: {  	s28 =	smul.u32 $0x50000, s0;
	s31 =	sshll.u32 s0, $0x6;
	s1 =	sor.u32 s0, s1  }
0x8: {  	s29 =	sshrl.u32 s5, $0x1;
	s7 =	smul.u32 $0x500, s1;
	s1 =	rddreg [dreg:$0x3]  }
0x9: {  	_ =	strace $0x80000047;
	s10 =	sshrl.u32 s8, $0x3;
	s8 =	sadd.s32 s8, s9  }
0xa: {  	s11 =	ssub.s32 s5, s29;
	s30 =	sshrl.u32 s28, $0x2;
	s8 =	sshrl.u32 s8, $0x3  }
0xb: {  	s10 =	sadd.s32 s10, s6;
	s12 =	sadd.s32 s30, s3;
	s9 =	smax.u32 s11, $0x1  }
0xc: {  	s11 =	simm.s32 $0x2;
	s7 =	sadd.s32 s7, s6;
	s8 =	sadd.s32 s8, s6  }
0xd: {  	s5 =	sadd.s32 $0x16A00, s10;
	s6 =	sor.u32 $0x1C02, s31;
	s10 =	sshrl.u32 s12, $0x3  }
0xe: {  	s12 =	simm.s32 $0x2800;
	s7 =	sadd.s32 $0x2A00, s7;
	s8 =	sadd.s32 $0x3EA00, s8  }
.LBB2_1:
0xf: {  	[spmem:s10], [sflag:s6] =	dma.local [hbm:s5], $0x2800  }
0x10: {  	_ =	swait.ge [sflag:s11], $0x2800  }
0x11: {  	[sflag:s11] =	ssyncset.done $0x0  }
0x12: {  	[sflag:s11] =	ssyncadd.s32 $0xFFFFD800  }
0x13: {  	[tilespmem:s12], [sflag:$0x2] =	stream.linear.gather [hbm4b:s2+s4], $0x4000, $0x38;
	[tilespmem:$0x1A800] =	vst v63  }
0x14: {  	_ =	swait.ge [sflag:s11], $0x4000  }
0x15: {  	[sflag:s11] =	ssyncset.done $0x0  }
0x16: {  	[sflag:s11] =	ssyncadd.s32 $0xFFFFC000  }
0x17: {  	[tilespmem:s4], [sflag:$0x2] =	stream.linear.gather [hbm4b:s7+s4], $0x2800, $0x38;
	[tilespmem:$0x1A800] =	vst v63  }
0x18: {  	_ =	swait.ge [sflag:s11], $0x2800  }
0x19: {  	[sflag:s11] =	ssyncset.done $0x0  }
0x1a: {  	[sflag:s11] =	ssyncadd.s32 $0xFFFFD800  }
0x1b: {  	s16 =	simm.s32 $0x0;
	[bflag:$0x0] =	sbarrier.arrive $0xFFFF  }
.LBB2_2:
0x1c: {  	p0 =	sne.s32 s16, $0x9E00  }
.Ltmp0:
0x1d: {  	_ = 	snop;
	(pc) =	sbr.rel @p0 .LBB2_2-.Ltmp0, $3  }
0x1e: {  	_ =	sdelay $0x1  }
0x1f: {  	s17 =	sshra.s32 s16, $0x2;
	s16 =	sadd.s32 $0x200, s16  }
0x20: {  	[spmem:s3] =	stream.indirect.scatter.add.f32 [tilespmem:s12], [sflag:$0x1], $0x80, s17, s13, $0xb8;
	[tilespmem:$0x1A800] =	vst v63  }
0x21: {  	_ =	swait.ge [sflag:s14], $0x4000  }
0x22: {  	s16 =	simm.s32 $0x4F;
	[sflag:s14] =	ssyncset.done $0x0  }
.LBB2_4:
0x23: {  	p0 =	sne.s32 s16, $0x1;
	s16 =	sadd.s32 $0xFFFFFFFF, s16;
	[sflag:s14] =	ssyncadd.s32 $0xFFFFC000  }
.Ltmp1:
0x24: {  	(pc) =	sbr.rel @p0 .LBB2_4-.Ltmp1, $3  }
0x25: {  	_ =	sdelay $0x1  }
0x26: {  	_ =	swait.ge [sflag:s14], $0x4000  }
0x27: {  	[sflag:s14] =	ssyncset.done $0x0  }
0x28: {  	s15 =	sadd.s32 $0x1, s15  }
0x29: {  	[sflag:s14] =	ssyncadd.s32 $0xFFFFC000;
	p0 =	sne.s32 s15, s9  }
.Ltmp2:
0x2a: {  	[bflag:$0x0] =	sbarrier.arrive $0xFFFF;
	(pc) =	sbr.rel @p0 .LBB2_1-.Ltmp2, $4  }
0x2b: {  	[hbm:s8], [sflag:s6] =	dma.local [spmem:s10], $0x2800  }
0x2c: {  	_ =	swait.ge [sflag:s11], $0x2800  }
0x2d: {  	[sflag:s11] =	ssyncset.done $0x0  }
0x2e: {  	[sflag:s11] =	ssyncadd.s32 $0xFFFFD800  }
0x2f: {  	_ =	sfence.sel $0x180000  }
0x30: {  	[bflag:$0x0] =	sbarrier.arrive $0xFFFF  }
0x31: {  	p0 =	sne.s32 s0, $0x0;
	_ =	strace $0x90000047  }
0x32: {  	s0 =	sadd.s32 @!p0 $0x100000, s1;
	[bflag:$0x2] =	sbarrier.arrive $0xFFFF  }
0x33: {  	[sflag:s0] =	ssyncadd.tile.s32 @!p0 $0x1;
	_ =	shalt  }
.Lfunc_end2:
_tile_overlayer_lowered:
.L_overlay_start_2:
0x34: {  	(tag) =	ssettag $0x2  }
0x35: {  	s0 =	rddreg [dreg:$0x0];
	s2 =	stileid.u32  }
0x36: {  	s1 =	rddreg [dreg:$0x1];
	p0 =	sne.s32 s2, $0x0  }
0x37: {  	s3 =	rddreg [dreg:$0x2];
	[bflag:$0x3] =	sbarrier.arrive $0xFFFF;
	s2 =	simm.s32 @!p0 $0x1C02  }
0x38: {  	[timem:s3], [sflag:s2] =	dma.local @!p0 [hbm:s0], s1  }
0x39: {  	s0 =	simm.s32 @!p0 $0x2  }
0x3a: {  	_ =	swait.ge @!p0 [sflag:s0], s1  }
0x3b: {  	s1 =	ssub.s32 @!p0 $0x0, s1;
	[sflag:s0] =	ssyncset.done @!p0 $0x0  }
0x3c: {  	[sflag:s0] =	ssyncadd.s32 @!p0 s1  }
0x3d: {  	[bflag:$0x3] =	sbarrier.arrive $0xFFFF  }
0x3e: {  	_ =	shalt  }

</sc_bundles>
